<compile_context>
chip_gen: v7x
topology: tpu7x:2x2x1
jax: 0.10.2.dev20260603
libtpu: 0.0.44.dev20260713+nightly
codegen_flags: <defaults>
</compile_context>

<pallas_src>
import functools

import jax
import jax.numpy as jnp
import numpy as np
from jax import lax
from jax.experimental import pallas as pl
from jax.experimental.pallas import tpu as pltpu
from jax.experimental.pallas import tpu_sc as plsc

NUM_CPNTS = 16
IN_CHANNELS = 384
BATCH = 64
ROW = 1024
DELTA_T = 2.0 / (NUM_CPNTS - 1)
CP = np.linspace(-1.0, 1.0, NUM_CPNTS).astype(np.float32)
INV_D = np.float32(7.5)
NTAB = NUM_CPNTS + 1

NC, NS, L = 2, 16, 16
NW = NC * NS
N_ROWS = BATCH * IN_CHANNELS
ROWS_PER_W = N_ROWS // NW
CHUNK_ROWS = 16
CHUNK_EL = CHUNK_ROWS * ROW
N_CHUNKS = ROWS_PER_W // CHUNK_ROWS
NBUF = 3
TAB = IN_CHANNELS * NTAB


def _body(x2, st, bs, out, ptab, qtab, stab, btab, inb, outb,
          sin0, sin1, sin2, sout0, sout1, sout2):
    cid = lax.axis_index("c")
    sid = lax.axis_index("s")
    wid = sid * NC + cid
    row0 = wid * ROWS_PER_W

    def _in_copy0(t, p, buf, sem):
        return pltpu.make_async_copy(
            x2.at[pl.ds(row0 + t * CHUNK_ROWS, CHUNK_ROWS), :], buf, sem)

    _in_copy0(0, 0, inb.at[0], sin0).start()
    _in_copy0(1, 1, inb.at[1], sin1).start()

    pltpu.sync_copy(st, stab)
    pltpu.sync_copy(bs, btab)

    lane17 = lax.iota(jnp.int32, L) * NTAB

    def build(g, carry):
        cb = g * L
        bias_v = btab[pl.ds(cb, L)]
        sidx = lane17 + cb * NTAB
        acc = bias_v
        s0 = stab[pl.ds(cb, L)]
        plsc.store_scatter(ptab, [sidx], s0)
        plsc.store_scatter(qtab, [sidx], acc - CP[0] * s0)
        for k in range(1, NUM_CPNTS + 1):
            sk = stab[pl.ds(k * IN_CHANNELS + cb, L)]
            plsc.store_scatter(ptab, [sidx + k], sk)
            plsc.store_scatter(qtab, [sidx + k], acc - CP[k - 1] * sk)
            if k <= NUM_CPNTS - 1:
                acc = acc + np.float32(DELTA_T) * sk
        return carry

    lax.fori_loop(0, IN_CHANNELS // L, build, 0)

    sins = [sin0, sin1, sin2]
    souts = [sout0, sout1, sout2]

    def in_copy(t, p):
        return pltpu.make_async_copy(
            x2.at[pl.ds(row0 + t * CHUNK_ROWS, CHUNK_ROWS), :],
            inb.at[p], sins[p])

    def out_copy(t, p):
        return pltpu.make_async_copy(
            outb.at[p],
            out.at[pl.ds(row0 + t * CHUNK_ROWS, CHUNK_ROWS), :], souts[p])

    def process(t, p):
        @pl.when(t + 2 < N_CHUNKS)
        def _():
            in_copy(t + 2, (p + 2) % NBUF).start()

        in_copy(t, p).wait()

        @pl.when(t >= NBUF)
        def _():
            out_copy(t, p).wait()

        cbase = lax.rem(t * CHUNK_ROWS, IN_CHANNELS) * NTAB

        @plsc.parallel_loop(0, CHUNK_EL // L, 1, unroll=8)
        def _vloop(k):
            r = lax.shift_right_logical(k, 6)
            col = lax.shift_left(k & (ROW // L - 1), 4)
            coff = cbase + r * NTAB
            v = inb[p, r, pl.ds(col, L)]
            u = v * INV_D + np.float32(8.5)
            u = jnp.minimum(jnp.maximum(u, np.float32(0.0)),
                            np.float32(16.5))
            idx = u.astype(jnp.int32) + coff
            pv = plsc.load_gather(ptab, [idx])
            qv = plsc.load_gather(qtab, [idx])
            outb[p, r, pl.ds(col, L)] = v * pv + qv

        out_copy(t, p).start()

    def chunk_trip(i, carry):
        for p in range(NBUF):
            process(i * NBUF + p, p)
        return carry

    lax.fori_loop(0, N_CHUNKS // NBUF, chunk_trip, 0)

    out_copy(N_CHUNKS - 3, 0).wait()
    out_copy(N_CHUNKS - 2, 1).wait()
    out_copy(N_CHUNKS - 1, 2).wait()


_pwl = functools.partial(
    pl.kernel,
    out_type=jax.ShapeDtypeStruct((N_ROWS, ROW), jnp.float32),
    mesh=plsc.VectorSubcoreMesh(core_axis_name="c", subcore_axis_name="s"),
    compiler_params=pltpu.CompilerParams(needs_layout_passes=False,
                                         use_tc_tiling_on_sc=True),
    scratch_types=[
        pltpu.VMEM((TAB,), jnp.float32),
        pltpu.VMEM((TAB,), jnp.float32),
        pltpu.VMEM((NTAB * IN_CHANNELS,), jnp.float32),
        pltpu.VMEM((IN_CHANNELS,), jnp.float32),
        pltpu.VMEM((NBUF, CHUNK_ROWS, ROW), jnp.float32),
        pltpu.VMEM((NBUF, CHUNK_ROWS, ROW), jnp.float32),
        pltpu.SemaphoreType.DMA,
        pltpu.SemaphoreType.DMA,
        pltpu.SemaphoreType.DMA,
        pltpu.SemaphoreType.DMA,
        pltpu.SemaphoreType.DMA,
        pltpu.SemaphoreType.DMA,
    ],
)(_body)


def kernel(x, slopes, biases):
    x2 = x.reshape(N_ROWS, ROW)
    st = slopes.T.reshape(-1)
    out = _pwl(x2, st, biases)
    return out.reshape(x.shape)

# --- scband reference (transcript-rebuilt; emitter-appended) ---
"""Pipeline reference for scband-efficient-pwl-11184094839110 (READ-ONLY COPY).

The authoritative reference and input builder live on the scoring server;
editing this copy changes nothing except your own understanding.
"""

import jax, jax.numpy as jnp
import numpy as np

NUM_CPNTS = 16
IN_CHANNELS = 384
DELTA_T = 2.0 / (NUM_CPNTS - 1)


def setup_inputs(seed: int = 0):
    key = jax.random.key(seed)
    k1, k2, k3 = jax.random.split(key, 3)
    x = jax.random.normal(k1, (64, IN_CHANNELS, 1024), dtype=jnp.float32)
    half = (NUM_CPNTS + 1) // 2
    base = jnp.concatenate([
        jnp.zeros((IN_CHANNELS, half), dtype=jnp.float32),
        jnp.ones((IN_CHANNELS, NUM_CPNTS + 1 - half), dtype=jnp.float32),
    ], axis=1)
    slopes = base + 0.01 * jax.random.normal(k2, (IN_CHANNELS, NUM_CPNTS + 1), dtype=jnp.float32)
    biases = 0.01 * jax.random.normal(k3, (IN_CHANNELS,), dtype=jnp.float32)
    return {"x": x, "slopes": slopes, "biases": biases}


def reference(x, slopes, biases):
    cpnts = jnp.linspace(-1.0, 1.0, NUM_CPNTS)
    # searchsorted indices (non-differentiable, matches torch.no_grad block)
    ind1 = jnp.searchsorted(cpnts, x, side='right')
    ind2 = jnp.maximum(ind1 - 1, 0)
    # cumulative biases per channel
    cumbias = jnp.cumsum(slopes[:, 1:-1] * DELTA_T, axis=1)
    cumbias = jnp.concatenate([biases[:, None], cumbias + biases[:, None]], axis=1)
    # gather per-channel slope/bias at the bucket index
    ch = jnp.arange(x.shape[1])[None, :, None]
    cpnts_g = cpnts[ind2]
    slopes_g = slopes[ch, ind1]
    biases_g = cumbias[ch, ind2]
    return (x - cpnts_g) * slopes_g + biases_g

if __name__ == "__main__":
    import jax
    _d = setup_inputs()
    print(jax.jit(kernel)(*tuple(_d.values())))

</pallas_src>

<mosaic_0001>
#map = affine_map<(d0, d1) -> (0, 0)>
#map1 = affine_map<(d0, d1) -> (0)>
module attributes {stable_mosaic.version = 14 : i64} {
  func.func @_body(%arg0: i32, %arg1: i32, %arg2: memref<24576x1024xf32, #tpu.memory_space<hbm>>, %arg3: memref<6528xf32, #tpu.memory_space<hbm>>, %arg4: memref<384xf32, #tpu.memory_space<hbm>>, %arg5: memref<24576x1024xf32, #tpu.memory_space<hbm>>, %arg6: memref<6528xf32, #tpu.memory_space<vmem>>, %arg7: memref<6528xf32, #tpu.memory_space<vmem>>, %arg8: memref<6528xf32, #tpu.memory_space<vmem>>, %arg9: memref<384xf32, #tpu.memory_space<vmem>>, %arg10: memref<3x16x1024xf32, #tpu.memory_space<vmem>>, %arg11: memref<3x16x1024xf32, #tpu.memory_space<vmem>>, %arg12: memref<!tpu.dma_semaphore, #tpu.memory_space<semaphore_mem>>, %arg13: memref<!tpu.dma_semaphore, #tpu.memory_space<semaphore_mem>>, %arg14: memref<!tpu.dma_semaphore, #tpu.memory_space<semaphore_mem>>, %arg15: memref<!tpu.dma_semaphore, #tpu.memory_space<semaphore_mem>>, %arg16: memref<!tpu.dma_semaphore, #tpu.memory_space<semaphore_mem>>, %arg17: memref<!tpu.dma_semaphore, #tpu.memory_space<semaphore_mem>>) attributes {dimension_semantics = [#tpu.dimension_semantics<core_parallel>, #tpu.dimension_semantics<subcore_parallel>], iteration_bounds = array<i64: 2, 16>, scalar_prefetch = 0 : i64, scratch_operands = 12 : i64, tpu.core_type = #tpu.core_type<sc_vector_subcore>, window_params = [{transform_indices = #map}, {transform_indices = #map1}, {transform_indices = #map1}, {transform_indices = #map}]} {
    %mul3A = arith.constant 2 : i32
    %mul3A_0 = arith.muli %arg1, %mul3A : i32
    %add3A = arith.addi %mul3A_0, %arg0 : i32
    %mul3A_1 = arith.constant 768 : i32
    %mul3A_2 = arith.muli %add3A, %mul3A_1 : i32
    %add3A_3 = arith.constant 0 : i32
    %add3A_4 = arith.addi %mul3A_2, %add3A_3 : i32
    %dma_start3A = arith.constant 0 : i32
    %dma_start3A_5 = arith.constant 0 : i32
    %dma_start3A_6 = arith.constant 0 : i32
    %dma_start3A_7 = tpu.memref_slice %arg10[%dma_start3A, %dma_start3A_5, %dma_start3A_6] : memref<3x16x1024xf32, #tpu.memory_space<vmem>> -> memref<1x16x1024xf32, #tpu.memory_space<vmem>>
    %dma_start3A_8 = tpu.memref_squeeze %dma_start3A_7 : memref<1x16x1024xf32, #tpu.memory_space<vmem>> -> memref<16x1024xf32, #tpu.memory_space<vmem>>
    %dma_start3A_9 = arith.constant 0 : i32
    %dma_start3A_10 = tpu.memref_slice %arg2[%add3A_4, %dma_start3A_9] : memref<24576x1024xf32, #tpu.memory_space<hbm>> -> memref<16x1024xf32, #tpu.memory_space<hbm>>
    %dma_start3A_11 = arith.constant 0 : i32
    %dma_start3A_12 = arith.constant 0 : i32
    %dma_start3A_13 = tpu.memref_slice %arg10[%dma_start3A, %dma_start3A_11, %dma_start3A_12] : memref<3x16x1024xf32, #tpu.memory_space<vmem>> -> memref<1x16x1024xf32, #tpu.memory_space<vmem>>
    %dma_start3A_14 = tpu.memref_squeeze %dma_start3A_13 : memref<1x16x1024xf32, #tpu.memory_space<vmem>> -> memref<16x1024xf32, #tpu.memory_space<vmem>>
    %dma_start3A_15 = arith.constant 0 : i32
    %dma_start3A_16 = tpu.memref_slice %arg2[%add3A_4, %dma_start3A_15] : memref<24576x1024xf32, #tpu.memory_space<hbm>> -> memref<16x1024xf32, #tpu.memory_space<hbm>>
    tpu.enqueue_dma source(%dma_start3A_16 : memref<16x1024xf32, #tpu.memory_space<hbm>>) target(%dma_start3A_14 : memref<16x1024xf32, #tpu.memory_space<vmem>>) target_semaphore(%arg12 : memref<!tpu.dma_semaphore, #tpu.memory_space<semaphore_mem>>)
    %add3A_17 = arith.constant 16 : i32
    %add3A_18 = arith.addi %mul3A_2, %add3A_17 : i32
    %dma_start3A_19 = arith.constant 1 : i32
    %dma_start3A_20 = arith.constant 0 : i32
    %dma_start3A_21 = arith.constant 0 : i32
    %dma_start3A_22 = tpu.memref_slice %arg10[%dma_start3A_19, %dma_start3A_20, %dma_start3A_21] : memref<3x16x1024xf32, #tpu.memory_space<vmem>> -> memref<1x16x1024xf32, #tpu.memory_space<vmem>>
    %dma_start3A_23 = tpu.memref_squeeze %dma_start3A_22 : memref<1x16x1024xf32, #tpu.memory_space<vmem>> -> memref<16x1024xf32, #tpu.memory_space<vmem>>
    %dma_start3A_24 = arith.constant 0 : i32
    %dma_start3A_25 = tpu.memref_slice %arg2[%add3A_18, %dma_start3A_24] : memref<24576x1024xf32, #tpu.memory_space<hbm>> -> memref<16x1024xf32, #tpu.memory_space<hbm>>
    %dma_start3A_26 = arith.constant 0 : i32
    %dma_start3A_27 = arith.constant 0 : i32
    %dma_start3A_28 = tpu.memref_slice %arg10[%dma_start3A_19, %dma_start3A_26, %dma_start3A_27] : memref<3x16x1024xf32, #tpu.memory_space<vmem>> -> memref<1x16x1024xf32, #tpu.memory_space<vmem>>
    %dma_start3A_29 = tpu.memref_squeeze %dma_start3A_28 : memref<1x16x1024xf32, #tpu.memory_space<vmem>> -> memref<16x1024xf32, #tpu.memory_space<vmem>>
    %dma_start3A_30 = arith.constant 0 : i32
    %dma_start3A_31 = tpu.memref_slice %arg2[%add3A_18, %dma_start3A_30] : memref<24576x1024xf32, #tpu.memory_space<hbm>> -> memref<16x1024xf32, #tpu.memory_space<hbm>>
    tpu.enqueue_dma source(%dma_start3A_31 : memref<16x1024xf32, #tpu.memory_space<hbm>>) target(%dma_start3A_29 : memref<16x1024xf32, #tpu.memory_space<vmem>>) target_semaphore(%arg13 : memref<!tpu.dma_semaphore, #tpu.memory_space<semaphore_mem>>)
    "tpu.region"() ({
      %run_scoped3A = tpu.sem_alloc : memref<!tpu.dma_semaphore, #tpu.memory_space<semaphore_mem>>
      tpu.enqueue_dma source(%arg3 : memref<6528xf32, #tpu.memory_space<hbm>>) target(%arg8 : memref<6528xf32, #tpu.memory_space<vmem>>) target_semaphore(%run_scoped3A : memref<!tpu.dma_semaphore, #tpu.memory_space<semaphore_mem>>)
      tpu.wait_dma2 semaphore(%run_scoped3A : memref<!tpu.dma_semaphore, #tpu.memory_space<semaphore_mem>>) src(%arg3 : memref<6528xf32, #tpu.memory_space<hbm>>) dst(%arg8 : memref<6528xf32, #tpu.memory_space<vmem>>)
      tpu.yield
    }) : () -> ()
    "tpu.region"() ({
      %run_scoped3A = tpu.sem_alloc : memref<!tpu.dma_semaphore, #tpu.memory_space<semaphore_mem>>
      tpu.enqueue_dma source(%arg4 : memref<384xf32, #tpu.memory_space<hbm>>) target(%arg9 : memref<384xf32, #tpu.memory_space<vmem>>) target_semaphore(%run_scoped3A : memref<!tpu.dma_semaphore, #tpu.memory_space<semaphore_mem>>)
      tpu.wait_dma2 semaphore(%run_scoped3A : memref<!tpu.dma_semaphore, #tpu.memory_space<semaphore_mem>>) src(%arg4 : memref<384xf32, #tpu.memory_space<hbm>>) dst(%arg9 : memref<384xf32, #tpu.memory_space<vmem>>)
      tpu.yield
    }) : () -> ()
    %iota3A = tpu.iota {dimensions = array<i32: 0>} : vector<16xi32>
    %mul3A_32 = arith.constant 17 : i32
    %mul3A_33 = vector.broadcast %mul3A_32 : i32 to vector<16xi32>
    %mul3A_34 = arith.muli %iota3A, %mul3A_33 : vector<16xi32>
    %scan3A = arith.constant 0 : i32
    %scan3A_35 = arith.constant 0 : i32
    %scan3A_36 = arith.constant 24 : i32
    %scan3A_37 = arith.addi %scan3A_35, %scan3A_36 : i32
    %scan3A_38 = arith.constant 1 : i32
    scf.for %scan3A_90 = %scan3A_35 to %scan3A_37 step %scan3A_38  : i32 {
      %mul3A_91 = arith.constant 16 : i32
      %mul3A_92 = arith.muli %scan3A_90, %mul3A_91 : i32
      %get3A = arith.index_cast %mul3A_92 : i32 to index
      %get3A_93 = tpu.vector_load %arg9[%get3A] {strides = array<i32>} : memref<384xf32, #tpu.memory_space<vmem>>, vector<16xf32>,
      %mul3A_94 = arith.constant 17 : i32
      %mul3A_95 = arith.muli %mul3A_92, %mul3A_94 : i32
      %add3A_96 = vector.broadcast %mul3A_95 : i32 to vector<16xi32>
      %add3A_97 = arith.addi %mul3A_34, %add3A_96 : vector<16xi32>
      %get3A_98 = arith.index_cast %mul3A_92 : i32 to index
      %get3A_99 = tpu.vector_load %arg8[%get3A_98] {strides = array<i32>} : memref<6528xf32, #tpu.memory_space<vmem>>, vector<16xf32>,
      tpu.vector_store_idx %arg6[%add3A_97], %get3A_99 : memref<6528xf32, #tpu.memory_space<vmem>>[vector<16xi32>], vector<16xf32>,
      %mul3A_100 = arith.constant -1.000000e+00 : f32
      %mul3A_101 = vector.broadcast %mul3A_100 : f32 to vector<16xf32>
      %mul3A_102 = arith.mulf %mul3A_101, %get3A_99 : vector<16xf32>
      %sub3A = arith.subf %get3A_93, %mul3A_102 : vector<16xf32>
      tpu.vector_store_idx %arg7[%add3A_97], %sub3A : memref<6528xf32, #tpu.memory_space<vmem>>[vector<16xi32>], vector<16xf32>,
      %add3A_103 = arith.constant 384 : i32
      %add3A_104 = arith.addi %add3A_103, %mul3A_92 : i32
      %get3A_105 = arith.index_cast %add3A_104 : i32 to index
      %get3A_106 = tpu.vector_load %arg8[%get3A_105] {strides = array<i32>} : memref<6528xf32, #tpu.memory_space<vmem>>, vector<16xf32>,
      %add3A_107 = arith.constant 1 : i32
      %add3A_108 = vector.broadcast %add3A_107 : i32 to vector<16xi32>
      %add3A_109 = arith.addi %add3A_97, %add3A_108 : vector<16xi32>
      tpu.vector_store_idx %arg6[%add3A_109], %get3A_106 : memref<6528xf32, #tpu.memory_space<vmem>>[vector<16xi32>], vector<16xf32>,
      %add3A_110 = arith.constant 1 : i32
      %add3A_111 = vector.broadcast %add3A_110 : i32 to vector<16xi32>
      %add3A_112 = arith.addi %add3A_97, %add3A_111 : vector<16xi32>
      %mul3A_113 = arith.constant -1.000000e+00 : f32
      %mul3A_114 = vector.broadcast %mul3A_113 : f32 to vector<16xf32>
      %mul3A_115 = arith.mulf %mul3A_114, %get3A_106 : vector<16xf32>
      %sub3A_116 = arith.subf %get3A_93, %mul3A_115 : vector<16xf32>
      tpu.vector_store_idx %arg7[%add3A_112], %sub3A_116 : memref<6528xf32, #tpu.memory_space<vmem>>[vector<16xi32>], vector<16xf32>,
      %mul3A_117 = arith.constant 0.13333334 : f32
      %mul3A_118 = vector.broadcast %mul3A_117 : f32 to vector<16xf32>
      %mul3A_119 = arith.mulf %mul3A_118, %get3A_106 : vector<16xf32>
      %add3A_120 = arith.addf %get3A_93, %mul3A_119 : vector<16xf32>
      %add3A_121 = arith.constant 768 : i32
      %add3A_122 = arith.addi %add3A_121, %mul3A_92 : i32
      %get3A_123 = arith.index_cast %add3A_122 : i32 to index
      %get3A_124 = tpu.vector_load %arg8[%get3A_123] {strides = array<i32>} : memref<6528xf32, #tpu.memory_space<vmem>>, vector<16xf32>,
      %add3A_125 = arith.constant 2 : i32
      %add3A_126 = vector.broadcast %add3A_125 : i32 to vector<16xi32>
      %add3A_127 = arith.addi %add3A_97, %add3A_126 : vector<16xi32>
      tpu.vector_store_idx %arg6[%add3A_127], %get3A_124 : memref<6528xf32, #tpu.memory_space<vmem>>[vector<16xi32>], vector<16xf32>,
      %add3A_128 = arith.constant 2 : i32
      %add3A_129 = vector.broadcast %add3A_128 : i32 to vector<16xi32>
      %add3A_130 = arith.addi %add3A_97, %add3A_129 : vector<16xi32>
      %mul3A_131 = arith.constant -0.866666674 : f32
      %mul3A_132 = vector.broadcast %mul3A_131 : f32 to vector<16xf32>
      %mul3A_133 = arith.mulf %mul3A_132, %get3A_124 : vector<16xf32>
      %sub3A_134 = arith.subf %add3A_120, %mul3A_133 : vector<16xf32>
      tpu.vector_store_idx %arg7[%add3A_130], %sub3A_134 : memref<6528xf32, #tpu.memory_space<vmem>>[vector<16xi32>], vector<16xf32>,
      %mul3A_135 = arith.constant 0.13333334 : f32
      %mul3A_136 = vector.broadcast %mul3A_135 : f32 to vector<16xf32>
      %mul3A_137 = arith.mulf %mul3A_136, %get3A_124 : vector<16xf32>
      %add3A_138 = arith.addf %add3A_120, %mul3A_137 : vector<16xf32>
      %add3A_139 = arith.constant 1152 : i32
      %add3A_140 = arith.addi %add3A_139, %mul3A_92 : i32
      %get3A_141 = arith.index_cast %add3A_140 : i32 to index
      %get3A_142 = tpu.vector_load %arg8[%get3A_141] {strides = array<i32>} : memref<6528xf32, #tpu.memory_space<vmem>>, vector<16xf32>,
      %add3A_143 = arith.constant 3 : i32
      %add3A_144 = vector.broadcast %add3A_143 : i32 to vector<16xi32>
      %add3A_145 = arith.addi %add3A_97, %add3A_144 : vector<16xi32>
      tpu.vector_store_idx %arg6[%add3A_145], %get3A_142 : memref<6528xf32, #tpu.memory_space<vmem>>[vector<16xi32>], vector<16xf32>,
      %add3A_146 = arith.constant 3 : i32
      %add3A_147 = vector.broadcast %add3A_146 : i32 to vector<16xi32>
      %add3A_148 = arith.addi %add3A_97, %add3A_147 : vector<16xi32>
      %mul3A_149 = arith.constant -0.733333349 : f32
      %mul3A_150 = vector.broadcast %mul3A_149 : f32 to vector<16xf32>
      %mul3A_151 = arith.mulf %mul3A_150, %get3A_142 : vector<16xf32>
      %sub3A_152 = arith.subf %add3A_138, %mul3A_151 : vector<16xf32>
      tpu.vector_store_idx %arg7[%add3A_148], %sub3A_152 : memref<6528xf32, #tpu.memory_space<vmem>>[vector<16xi32>], vector<16xf32>,
      %mul3A_153 = arith.constant 0.13333334 : f32
      %mul3A_154 = vector.broadcast %mul3A_153 : f32 to vector<16xf32>
      %mul3A_155 = arith.mulf %mul3A_154, %get3A_142 : vector<16xf32>
      %add3A_156 = arith.addf %add3A_138, %mul3A_155 : vector<16xf32>
      %add3A_157 = arith.constant 1536 : i32
      %add3A_158 = arith.addi %add3A_157, %mul3A_92 : i32
      %get3A_159 = arith.index_cast %add3A_158 : i32 to index
      %get3A_160 = tpu.vector_load %arg8[%get3A_159] {strides = array<i32>} : memref<6528xf32, #tpu.memory_space<vmem>>, vector<16xf32>,
      %add3A_161 = arith.constant 4 : i32
      %add3A_162 = vector.broadcast %add3A_161 : i32 to vector<16xi32>
      %add3A_163 = arith.addi %add3A_97, %add3A_162 : vector<16xi32>
      tpu.vector_store_idx %arg6[%add3A_163], %get3A_160 : memref<6528xf32, #tpu.memory_space<vmem>>[vector<16xi32>], vector<16xf32>,
      %add3A_164 = arith.constant 4 : i32
      %add3A_165 = vector.broadcast %add3A_164 : i32 to vector<16xi32>
      %add3A_166 = arith.addi %add3A_97, %add3A_165 : vector<16xi32>
      %mul3A_167 = arith.constant -6.000000e-01 : f32
      %mul3A_168 = vector.broadcast %mul3A_167 : f32 to vector<16xf32>
      %mul3A_169 = arith.mulf %mul3A_168, %get3A_160 : vector<16xf32>
      %sub3A_170 = arith.subf %add3A_156, %mul3A_169 : vector<16xf32>
      tpu.vector_store_idx %arg7[%add3A_166], %sub3A_170 : memref<6528xf32, #tpu.memory_space<vmem>>[vector<16xi32>], vector<16xf32>,
      %mul3A_171 = arith.constant 0.13333334 : f32
      %mul3A_172 = vector.broadcast %mul3A_171 : f32 to vector<16xf32>
      %mul3A_173 = arith.mulf %mul3A_172, %get3A_160 : vector<16xf32>
      %add3A_174 = arith.addf %add3A_156, %mul3A_173 : vector<16xf32>
      %add3A_175 = arith.constant 1920 : i32
      %add3A_176 = arith.addi %add3A_175, %mul3A_92 : i32
      %get3A_177 = arith.index_cast %add3A_176 : i32 to index
      %get3A_178 = tpu.vector_load %arg8[%get3A_177] {strides = array<i32>} : memref<6528xf32, #tpu.memory_space<vmem>>, vector<16xf32>,
      %add3A_179 = arith.constant 5 : i32
      %add3A_180 = vector.broadcast %add3A_179 : i32 to vector<16xi32>
      %add3A_181 = arith.addi %add3A_97, %add3A_180 : vector<16xi32>
      tpu.vector_store_idx %arg6[%add3A_181], %get3A_178 : memref<6528xf32, #tpu.memory_space<vmem>>[vector<16xi32>], vector<16xf32>,
      %add3A_182 = arith.constant 5 : i32
      %add3A_183 = vector.broadcast %add3A_182 : i32 to vector<16xi32>
      %add3A_184 = arith.addi %add3A_97, %add3A_183 : vector<16xi32>
      %mul3A_185 = arith.constant -0.466666669 : f32
      %mul3A_186 = vector.broadcast %mul3A_185 : f32 to vector<16xf32>
      %mul3A_187 = arith.mulf %mul3A_186, %get3A_178 : vector<16xf32>
      %sub3A_188 = arith.subf %add3A_174, %mul3A_187 : vector<16xf32>
      tpu.vector_store_idx %arg7[%add3A_184], %sub3A_188 : memref<6528xf32, #tpu.memory_space<vmem>>[vector<16xi32>], vector<16xf32>,
      %mul3A_189 = arith.constant 0.13333334 : f32
      %mul3A_190 = vector.broadcast %mul3A_189 : f32 to vector<16xf32>
      %mul3A_191 = arith.mulf %mul3A_190, %get3A_178 : vector<16xf32>
      %add3A_192 = arith.addf %add3A_174, %mul3A_191 : vector<16xf32>
      %add3A_193 = arith.constant 2304 : i32
      %add3A_194 = arith.addi %add3A_193, %mul3A_92 : i32
      %get3A_195 = arith.index_cast %add3A_194 : i32 to index
      %get3A_196 = tpu.vector_load %arg8[%get3A_195] {strides = array<i32>} : memref<6528xf32, #tpu.memory_space<vmem>>, vector<16xf32>,
      %add3A_197 = arith.constant 6 : i32
      %add3A_198 = vector.broadcast %add3A_197 : i32 to vector<16xi32>
      %add3A_199 = arith.addi %add3A_97, %add3A_198 : vector<16xi32>
      tpu.vector_store_idx %arg6[%add3A_199], %get3A_196 : memref<6528xf32, #tpu.memory_space<vmem>>[vector<16xi32>], vector<16xf32>,
      %add3A_200 = arith.constant 6 : i32
      %add3A_201 = vector.broadcast %add3A_200 : i32 to vector<16xi32>
      %add3A_202 = arith.addi %add3A_97, %add3A_201 : vector<16xi32>
      %mul3A_203 = arith.constant -0.333333343 : f32
      %mul3A_204 = vector.broadcast %mul3A_203 : f32 to vector<16xf32>
      %mul3A_205 = arith.mulf %mul3A_204, %get3A_196 : vector<16xf32>
      %sub3A_206 = arith.subf %add3A_192, %mul3A_205 : vector<16xf32>
      tpu.vector_store_idx %arg7[%add3A_202], %sub3A_206 : memref<6528xf32, #tpu.memory_space<vmem>>[vector<16xi32>], vector<16xf32>,
      %mul3A_207 = arith.constant 0.13333334 : f32
      %mul3A_208 = vector.broadcast %mul3A_207 : f32 to vector<16xf32>
      %mul3A_209 = arith.mulf %mul3A_208, %get3A_196 : vector<16xf32>
      %add3A_210 = arith.addf %add3A_192, %mul3A_209 : vector<16xf32>
      %add3A_211 = arith.constant 2688 : i32
      %add3A_212 = arith.addi %add3A_211, %mul3A_92 : i32
      %get3A_213 = arith.index_cast %add3A_212 : i32 to index
      %get3A_214 = tpu.vector_load %arg8[%get3A_213] {strides = array<i32>} : memref<6528xf32, #tpu.memory_space<vmem>>, vector<16xf32>,
      %add3A_215 = arith.constant 7 : i32
      %add3A_216 = vector.broadcast %add3A_215 : i32 to vector<16xi32>
      %add3A_217 = arith.addi %add3A_97, %add3A_216 : vector<16xi32>
      tpu.vector_store_idx %arg6[%add3A_217], %get3A_214 : memref<6528xf32, #tpu.memory_space<vmem>>[vector<16xi32>], vector<16xf32>,
      %add3A_218 = arith.constant 7 : i32
      %add3A_219 = vector.broadcast %add3A_218 : i32 to vector<16xi32>
      %add3A_220 = arith.addi %add3A_97, %add3A_219 : vector<16xi32>
      %mul3A_221 = arith.constant -2.000000e-01 : f32
      %mul3A_222 = vector.broadcast %mul3A_221 : f32 to vector<16xf32>
      %mul3A_223 = arith.mulf %mul3A_222, %get3A_214 : vector<16xf32>
      %sub3A_224 = arith.subf %add3A_210, %mul3A_223 : vector<16xf32>
      tpu.vector_store_idx %arg7[%add3A_220], %sub3A_224 : memref<6528xf32, #tpu.memory_space<vmem>>[vector<16xi32>], vector<16xf32>,
      %mul3A_225 = arith.constant 0.13333334 : f32
      %mul3A_226 = vector.broadcast %mul3A_225 : f32 to vector<16xf32>
      %mul3A_227 = arith.mulf %mul3A_226, %get3A_214 : vector<16xf32>
      %add3A_228 = arith.addf %add3A_210, %mul3A_227 : vector<16xf32>
      %add3A_229 = arith.constant 3072 : i32
      %add3A_230 = arith.addi %add3A_229, %mul3A_92 : i32
      %get3A_231 = arith.index_cast %add3A_230 : i32 to index
      %get3A_232 = tpu.vector_load %arg8[%get3A_231] {strides = array<i32>} : memref<6528xf32, #tpu.memory_space<vmem>>, vector<16xf32>,
      %add3A_233 = arith.constant 8 : i32
      %add3A_234 = vector.broadcast %add3A_233 : i32 to vector<16xi32>
      %add3A_235 = arith.addi %add3A_97, %add3A_234 : vector<16xi32>
      tpu.vector_store_idx %arg6[%add3A_235], %get3A_232 : memref<6528xf32, #tpu.memory_space<vmem>>[vector<16xi32>], vector<16xf32>,
      %add3A_236 = arith.constant 8 : i32
      %add3A_237 = vector.broadcast %add3A_236 : i32 to vector<16xi32>
      %add3A_238 = arith.addi %add3A_97, %add3A_237 : vector<16xi32>
      %mul3A_239 = arith.constant -0.0666666701 : f32
      %mul3A_240 = vector.broadcast %mul3A_239 : f32 to vector<16xf32>
      %mul3A_241 = arith.mulf %mul3A_240, %get3A_232 : vector<16xf32>
      %sub3A_242 = arith.subf %add3A_228, %mul3A_241 : vector<16xf32>
      tpu.vector_store_idx %arg7[%add3A_238], %sub3A_242 : memref<6528xf32, #tpu.memory_space<vmem>>[vector<16xi32>], vector<16xf32>,
      %mul3A_243 = arith.constant 0.13333334 : f32
      %mul3A_244 = vector.broadcast %mul3A_243 : f32 to vector<16xf32>
      %mul3A_245 = arith.mulf %mul3A_244, %get3A_232 : vector<16xf32>
      %add3A_246 = arith.addf %add3A_228, %mul3A_245 : vector<16xf32>
      %add3A_247 = arith.constant 3456 : i32
      %add3A_248 = arith.addi %add3A_247, %mul3A_92 : i32
      %get3A_249 = arith.index_cast %add3A_248 : i32 to index
      %get3A_250 = tpu.vector_load %arg8[%get3A_249] {strides = array<i32>} : memref<6528xf32, #tpu.memory_space<vmem>>, vector<16xf32>,
      %add3A_251 = arith.constant 9 : i32
      %add3A_252 = vector.broadcast %add3A_251 : i32 to vector<16xi32>
      %add3A_253 = arith.addi %add3A_97, %add3A_252 : vector<16xi32>
      tpu.vector_store_idx %arg6[%add3A_253], %get3A_250 : memref<6528xf32, #tpu.memory_space<vmem>>[vector<16xi32>], vector<16xf32>,
      %add3A_254 = arith.constant 9 : i32
      %add3A_255 = vector.broadcast %add3A_254 : i32 to vector<16xi32>
      %add3A_256 = arith.addi %add3A_97, %add3A_255 : vector<16xi32>
      %mul3A_257 = arith.constant 0.0666666701 : f32
      %mul3A_258 = vector.broadcast %mul3A_257 : f32 to vector<16xf32>
      %mul3A_259 = arith.mulf %mul3A_258, %get3A_250 : vector<16xf32>
      %sub3A_260 = arith.subf %add3A_246, %mul3A_259 : vector<16xf32>
      tpu.vector_store_idx %arg7[%add3A_256], %sub3A_260 : memref<6528xf32, #tpu.memory_space<vmem>>[vector<16xi32>], vector<16xf32>,
      %mul3A_261 = arith.constant 0.13333334 : f32
      %mul3A_262 = vector.broadcast %mul3A_261 : f32 to vector<16xf32>
      %mul3A_263 = arith.mulf %mul3A_262, %get3A_250 : vector<16xf32>
      %add3A_264 = arith.addf %add3A_246, %mul3A_263 : vector<16xf32>
      %add3A_265 = arith.constant 3840 : i32
      %add3A_266 = arith.addi %add3A_265, %mul3A_92 : i32
      %get3A_267 = arith.index_cast %add3A_266 : i32 to index
      %get3A_268 = tpu.vector_load %arg8[%get3A_267] {strides = array<i32>} : memref<6528xf32, #tpu.memory_space<vmem>>, vector<16xf32>,
      %add3A_269 = arith.constant 10 : i32
      %add3A_270 = vector.broadcast %add3A_269 : i32 to vector<16xi32>
      %add3A_271 = arith.addi %add3A_97, %add3A_270 : vector<16xi32>
      tpu.vector_store_idx %arg6[%add3A_271], %get3A_268 : memref<6528xf32, #tpu.memory_space<vmem>>[vector<16xi32>], vector<16xf32>,
      %add3A_272 = arith.constant 10 : i32
      %add3A_273 = vector.broadcast %add3A_272 : i32 to vector<16xi32>
      %add3A_274 = arith.addi %add3A_97, %add3A_273 : vector<16xi32>
      %mul3A_275 = arith.constant 2.000000e-01 : f32
      %mul3A_276 = vector.broadcast %mul3A_275 : f32 to vector<16xf32>
      %mul3A_277 = arith.mulf %mul3A_276, %get3A_268 : vector<16xf32>
      %sub3A_278 = arith.subf %add3A_264, %mul3A_277 : vector<16xf32>
      tpu.vector_store_idx %arg7[%add3A_274], %sub3A_278 : memref<6528xf32, #tpu.memory_space<vmem>>[vector<16xi32>], vector<16xf32>,
      %mul3A_279 = arith.constant 0.13333334 : f32
      %mul3A_280 = vector.broadcast %mul3A_279 : f32 to vector<16xf32>
      %mul3A_281 = arith.mulf %mul3A_280, %get3A_268 : vector<16xf32>
      %add3A_282 = arith.addf %add3A_264, %mul3A_281 : vector<16xf32>
      %add3A_283 = arith.constant 4224 : i32
      %add3A_284 = arith.addi %add3A_283, %mul3A_92 : i32
      %get3A_285 = arith.index_cast %add3A_284 : i32 to index
      %get3A_286 = tpu.vector_load %arg8[%get3A_285] {strides = array<i32>} : memref<6528xf32, #tpu.memory_space<vmem>>, vector<16xf32>,
      %add3A_287 = arith.constant 11 : i32
      %add3A_288 = vector.broadcast %add3A_287 : i32 to vector<16xi32>
      %add3A_289 = arith.addi %add3A_97, %add3A_288 : vector<16xi32>
      tpu.vector_store_idx %arg6[%add3A_289], %get3A_286 : memref<6528xf32, #tpu.memory_space<vmem>>[vector<16xi32>], vector<16xf32>,
      %add3A_290 = arith.constant 11 : i32
      %add3A_291 = vector.broadcast %add3A_290 : i32 to vector<16xi32>
      %add3A_292 = arith.addi %add3A_97, %add3A_291 : vector<16xi32>
      %mul3A_293 = arith.constant 0.333333343 : f32
      %mul3A_294 = vector.broadcast %mul3A_293 : f32 to vector<16xf32>
      %mul3A_295 = arith.mulf %mul3A_294, %get3A_286 : vector<16xf32>
      %sub3A_296 = arith.subf %add3A_282, %mul3A_295 : vector<16xf32>
      tpu.vector_store_idx %arg7[%add3A_292], %sub3A_296 : memref<6528xf32, #tpu.memory_space<vmem>>[vector<16xi32>], vector<16xf32>,
      %mul3A_297 = arith.constant 0.13333334 : f32
      %mul3A_298 = vector.broadcast %mul3A_297 : f32 to vector<16xf32>
      %mul3A_299 = arith.mulf %mul3A_298, %get3A_286 : vector<16xf32>
      %add3A_300 = arith.addf %add3A_282, %mul3A_299 : vector<16xf32>
      %add3A_301 = arith.constant 4608 : i32
      %add3A_302 = arith.addi %add3A_301, %mul3A_92 : i32
      %get3A_303 = arith.index_cast %add3A_302 : i32 to index
      %get3A_304 = tpu.vector_load %arg8[%get3A_303] {strides = array<i32>} : memref<6528xf32, #tpu.memory_space<vmem>>, vector<16xf32>,
      %add3A_305 = arith.constant 12 : i32
      %add3A_306 = vector.broadcast %add3A_305 : i32 to vector<16xi32>
      %add3A_307 = arith.addi %add3A_97, %add3A_306 : vector<16xi32>
      tpu.vector_store_idx %arg6[%add3A_307], %get3A_304 : memref<6528xf32, #tpu.memory_space<vmem>>[vector<16xi32>], vector<16xf32>,
      %add3A_308 = arith.constant 12 : i32
      %add3A_309 = vector.broadcast %add3A_308 : i32 to vector<16xi32>
      %add3A_310 = arith.addi %add3A_97, %add3A_309 : vector<16xi32>
      %mul3A_311 = arith.constant 0.466666669 : f32
      %mul3A_312 = vector.broadcast %mul3A_311 : f32 to vector<16xf32>
      %mul3A_313 = arith.mulf %mul3A_312, %get3A_304 : vector<16xf32>
      %sub3A_314 = arith.subf %add3A_300, %mul3A_313 : vector<16xf32>
      tpu.vector_store_idx %arg7[%add3A_310], %sub3A_314 : memref<6528xf32, #tpu.memory_space<vmem>>[vector<16xi32>], vector<16xf32>,
      %mul3A_315 = arith.constant 0.13333334 : f32
      %mul3A_316 = vector.broadcast %mul3A_315 : f32 to vector<16xf32>
      %mul3A_317 = arith.mulf %mul3A_316, %get3A_304 : vector<16xf32>
      %add3A_318 = arith.addf %add3A_300, %mul3A_317 : vector<16xf32>
      %add3A_319 = arith.constant 4992 : i32
      %add3A_320 = arith.addi %add3A_319, %mul3A_92 : i32
      %get3A_321 = arith.index_cast %add3A_320 : i32 to index
      %get3A_322 = tpu.vector_load %arg8[%get3A_321] {strides = array<i32>} : memref<6528xf32, #tpu.memory_space<vmem>>, vector<16xf32>,
      %add3A_323 = arith.constant 13 : i32
      %add3A_324 = vector.broadcast %add3A_323 : i32 to vector<16xi32>
      %add3A_325 = arith.addi %add3A_97, %add3A_324 : vector<16xi32>
      tpu.vector_store_idx %arg6[%add3A_325], %get3A_322 : memref<6528xf32, #tpu.memory_space<vmem>>[vector<16xi32>], vector<16xf32>,
      %add3A_326 = arith.constant 13 : i32
      %add3A_327 = vector.broadcast %add3A_326 : i32 to vector<16xi32>
      %add3A_328 = arith.addi %add3A_97, %add3A_327 : vector<16xi32>
      %mul3A_329 = arith.constant 6.000000e-01 : f32
      %mul3A_330 = vector.broadcast %mul3A_329 : f32 to vector<16xf32>
      %mul3A_331 = arith.mulf %mul3A_330, %get3A_322 : vector<16xf32>
      %sub3A_332 = arith.subf %add3A_318, %mul3A_331 : vector<16xf32>
      tpu.vector_store_idx %arg7[%add3A_328], %sub3A_332 : memref<6528xf32, #tpu.memory_space<vmem>>[vector<16xi32>], vector<16xf32>,
      %mul3A_333 = arith.constant 0.13333334 : f32
      %mul3A_334 = vector.broadcast %mul3A_333 : f32 to vector<16xf32>
      %mul3A_335 = arith.mulf %mul3A_334, %get3A_322 : vector<16xf32>
      %add3A_336 = arith.addf %add3A_318, %mul3A_335 : vector<16xf32>
      %add3A_337 = arith.constant 5376 : i32
      %add3A_338 = arith.addi %add3A_337, %mul3A_92 : i32
      %get3A_339 = arith.index_cast %add3A_338 : i32 to index
      %get3A_340 = tpu.vector_load %arg8[%get3A_339] {strides = array<i32>} : memref<6528xf32, #tpu.memory_space<vmem>>, vector<16xf32>,
      %add3A_341 = arith.constant 14 : i32
      %add3A_342 = vector.broadcast %add3A_341 : i32 to vector<16xi32>
      %add3A_343 = arith.addi %add3A_97, %add3A_342 : vector<16xi32>
      tpu.vector_store_idx %arg6[%add3A_343], %get3A_340 : memref<6528xf32, #tpu.memory_space<vmem>>[vector<16xi32>], vector<16xf32>,
      %add3A_344 = arith.constant 14 : i32
      %add3A_345 = vector.broadcast %add3A_344 : i32 to vector<16xi32>
      %add3A_346 = arith.addi %add3A_97, %add3A_345 : vector<16xi32>
      %mul3A_347 = arith.constant 0.733333349 : f32
      %mul3A_348 = vector.broadcast %mul3A_347 : f32 to vector<16xf32>
      %mul3A_349 = arith.mulf %mul3A_348, %get3A_340 : vector<16xf32>
      %sub3A_350 = arith.subf %add3A_336, %mul3A_349 : vector<16xf32>
      tpu.vector_store_idx %arg7[%add3A_346], %sub3A_350 : memref<6528xf32, #tpu.memory_space<vmem>>[vector<16xi32>], vector<16xf32>,
      %mul3A_351 = arith.constant 0.13333334 : f32
      %mul3A_352 = vector.broadcast %mul3A_351 : f32 to vector<16xf32>
      %mul3A_353 = arith.mulf %mul3A_352, %get3A_340 : vector<16xf32>
      %add3A_354 = arith.addf %add3A_336, %mul3A_353 : vector<16xf32>
      %add3A_355 = arith.constant 5760 : i32
      %add3A_356 = arith.addi %add3A_355, %mul3A_92 : i32
      %get3A_357 = arith.index_cast %add3A_356 : i32 to index
      %get3A_358 = tpu.vector_load %arg8[%get3A_357] {strides = array<i32>} : memref<6528xf32, #tpu.memory_space<vmem>>, vector<16xf32>,
      %add3A_359 = arith.constant 15 : i32
      %add3A_360 = vector.broadcast %add3A_359 : i32 to vector<16xi32>
      %add3A_361 = arith.addi %add3A_97, %add3A_360 : vector<16xi32>
      tpu.vector_store_idx %arg6[%add3A_361], %get3A_358 : memref<6528xf32, #tpu.memory_space<vmem>>[vector<16xi32>], vector<16xf32>,
      %add3A_362 = arith.constant 15 : i32
      %add3A_363 = vector.broadcast %add3A_362 : i32 to vector<16xi32>
      %add3A_364 = arith.addi %add3A_97, %add3A_363 : vector<16xi32>
      %mul3A_365 = arith.constant 0.866666674 : f32
      %mul3A_366 = vector.broadcast %mul3A_365 : f32 to vector<16xf32>
      %mul3A_367 = arith.mulf %mul3A_366, %get3A_358 : vector<16xf32>
      %sub3A_368 = arith.subf %add3A_354, %mul3A_367 : vector<16xf32>
      tpu.vector_store_idx %arg7[%add3A_364], %sub3A_368 : memref<6528xf32, #tpu.memory_space<vmem>>[vector<16xi32>], vector<16xf32>,
      %mul3A_369 = arith.constant 0.13333334 : f32
      %mul3A_370 = vector.broadcast %mul3A_369 : f32 to vector<16xf32>
      %mul3A_371 = arith.mulf %mul3A_370, %get3A_358 : vector<16xf32>
      %add3A_372 = arith.addf %add3A_354, %mul3A_371 : vector<16xf32>
      %add3A_373 = arith.constant 6144 : i32
      %add3A_374 = arith.addi %add3A_373, %mul3A_92 : i32
      %get3A_375 = arith.index_cast %add3A_374 : i32 to index
      %get3A_376 = tpu.vector_load %arg8[%get3A_375] {strides = array<i32>} : memref<6528xf32, #tpu.memory_space<vmem>>, vector<16xf32>,
      %add3A_377 = arith.constant 16 : i32
      %add3A_378 = vector.broadcast %add3A_377 : i32 to vector<16xi32>
      %add3A_379 = arith.addi %add3A_97, %add3A_378 : vector<16xi32>
      tpu.vector_store_idx %arg6[%add3A_379], %get3A_376 : memref<6528xf32, #tpu.memory_space<vmem>>[vector<16xi32>], vector<16xf32>,
      %add3A_380 = arith.constant 16 : i32
      %add3A_381 = vector.broadcast %add3A_380 : i32 to vector<16xi32>
      %add3A_382 = arith.addi %add3A_97, %add3A_381 : vector<16xi32>
      %mul3A_383 = arith.constant 1.000000e+00 : f32
      %mul3A_384 = vector.broadcast %mul3A_383 : f32 to vector<16xf32>
      %mul3A_385 = arith.mulf %mul3A_384, %get3A_376 : vector<16xf32>
      %sub3A_386 = arith.subf %add3A_372, %mul3A_385 : vector<16xf32>
      tpu.vector_store_idx %arg7[%add3A_382], %sub3A_386 : memref<6528xf32, #tpu.memory_space<vmem>>[vector<16xi32>], vector<16xf32>,
    }
    %scan3A_39 = arith.constant 24 : i32
    %scan3A_40 = arith.constant 0 : i32
    %scan3A_41 = arith.constant 0 : i32
    %scan3A_42 = arith.constant 16 : i32
    %scan3A_43 = arith.addi %scan3A_41, %scan3A_42 : i32
    %scan3A_44 = arith.constant 1 : i32
    scf.for %scan3A_90 = %scan3A_41 to %scan3A_43 step %scan3A_44  : i32 {
      %mul3A_91 = arith.constant 3 : i32
      %mul3A_92 = arith.muli %scan3A_90, %mul3A_91 : i32
      %add3A_93 = arith.constant 0 : i32
      %add3A_94 = arith.addi %mul3A_92, %add3A_93 : i32
      %add3A_95 = arith.constant 2 : i32
      %add3A_96 = arith.addi %add3A_94, %add3A_95 : i32
      %lt3A = arith.constant 48 : i32
      %lt3A_97 = arith.cmpi slt, %add3A_96, %lt3A : i32
      %convert_element_type3A = arith.extui %lt3A_97 : i1 to i32
      %cond3A = arith.constant 0 : i32
      %cond3A_98 = arith.cmpi ne, %convert_element_type3A, %cond3A : i32
      scf.if %cond3A_98 {
        %add3A_256 = arith.constant 2 : i32
        %add3A_257 = arith.addi %add3A_94, %add3A_256 : i32
        %mul3A_258 = arith.constant 16 : i32
        %mul3A_259 = arith.muli %add3A_257, %mul3A_258 : i32
        %add3A_260 = arith.addi %mul3A_2, %mul3A_259 : i32
        %dma_start3A_261 = arith.constant 2 : i32
        %dma_start3A_262 = arith.constant 0 : i32
        %dma_start3A_263 = arith.constant 0 : i32
        %dma_start3A_264 = tpu.memref_slice %arg10[%dma_start3A_261, %dma_start3A_262, %dma_start3A_263] : memref<3x16x1024xf32, #tpu.memory_space<vmem>> -> memref<1x16x1024xf32, #tpu.memory_space<vmem>>
        %dma_start3A_265 = tpu.memref_squeeze %dma_start3A_264 : memref<1x16x1024xf32, #tpu.memory_space<vmem>> -> memref<16x1024xf32, #tpu.memory_space<vmem>>
        %dma_start3A_266 = arith.constant 0 : i32
        %dma_start3A_267 = tpu.memref_slice %arg2[%add3A_260, %dma_start3A_266] : memref<24576x1024xf32, #tpu.memory_space<hbm>> -> memref<16x1024xf32, #tpu.memory_space<hbm>>
        %dma_start3A_268 = arith.constant 0 : i32
        %dma_start3A_269 = arith.constant 0 : i32
        %dma_start3A_270 = tpu.memref_slice %arg10[%dma_start3A_261, %dma_start3A_268, %dma_start3A_269] : memref<3x16x1024xf32, #tpu.memory_space<vmem>> -> memref<1x16x1024xf32, #tpu.memory_space<vmem>>
        %dma_start3A_271 = tpu.memref_squeeze %dma_start3A_270 : memref<1x16x1024xf32, #tpu.memory_space<vmem>> -> memref<16x1024xf32, #tpu.memory_space<vmem>>
        %dma_start3A_272 = arith.constant 0 : i32
        %dma_start3A_273 = tpu.memref_slice %arg2[%add3A_260, %dma_start3A_272] : memref<24576x1024xf32, #tpu.memory_space<hbm>> -> memref<16x1024xf32, #tpu.memory_space<hbm>>
        tpu.enqueue_dma source(%dma_start3A_273 : memref<16x1024xf32, #tpu.memory_space<hbm>>) target(%dma_start3A_271 : memref<16x1024xf32, #tpu.memory_space<vmem>>) target_semaphore(%arg14 : memref<!tpu.dma_semaphore, #tpu.memory_space<semaphore_mem>>)
      } else {
      }
      %mul3A_99 = arith.constant 16 : i32
      %mul3A_100 = arith.muli %add3A_94, %mul3A_99 : i32
      %add3A_101 = arith.addi %mul3A_2, %mul3A_100 : i32
      %dma_wait3A_102 = arith.constant 0 : i32
      %dma_wait3A_103 = arith.constant 0 : i32
      %dma_wait3A_104 = arith.constant 0 : i32
      %dma_wait3A_105 = tpu.memref_slice %arg10[%dma_wait3A_102, %dma_wait3A_103, %dma_wait3A_104] : memref<3x16x1024xf32, #tpu.memory_space<vmem>> -> memref<1x16x1024xf32, #tpu.memory_space<vmem>>
      %dma_wait3A_106 = tpu.memref_squeeze %dma_wait3A_105 : memref<1x16x1024xf32, #tpu.memory_space<vmem>> -> memref<16x1024xf32, #tpu.memory_space<vmem>>
      %dma_wait3A_107 = arith.constant 0 : i32
      %dma_wait3A_108 = tpu.memref_slice %arg2[%add3A_101, %dma_wait3A_107] : memref<24576x1024xf32, #tpu.memory_space<hbm>> -> memref<16x1024xf32, #tpu.memory_space<hbm>>
      %dma_wait3A_109 = arith.constant 0 : i32
      %dma_wait3A_110 = arith.constant 0 : i32
      %dma_wait3A_111 = tpu.memref_slice %arg10[%dma_wait3A_102, %dma_wait3A_109, %dma_wait3A_110] : memref<3x16x1024xf32, #tpu.memory_space<vmem>> -> memref<1x16x1024xf32, #tpu.memory_space<vmem>>
      %dma_wait3A_112 = tpu.memref_squeeze %dma_wait3A_111 : memref<1x16x1024xf32, #tpu.memory_space<vmem>> -> memref<16x1024xf32, #tpu.memory_space<vmem>>
      %dma_wait3A_113 = arith.constant 0 : i32
      %dma_wait3A_114 = tpu.memref_slice %arg2[%add3A_101, %dma_wait3A_113] : memref<24576x1024xf32, #tpu.memory_space<hbm>> -> memref<16x1024xf32, #tpu.memory_space<hbm>>
      tpu.wait_dma2 semaphore(%arg12 : memref<!tpu.dma_semaphore, #tpu.memory_space<semaphore_mem>>) src(%dma_wait3A_114 : memref<16x1024xf32, #tpu.memory_space<hbm>>) dst(%dma_wait3A_112 : memref<16x1024xf32, #tpu.memory_space<vmem>>)
      %ge3A = arith.constant 3 : i32
      %ge3A_115 = arith.cmpi sge, %add3A_94, %ge3A : i32
      %convert_element_type3A_116 = arith.extui %ge3A_115 : i1 to i32
      %cond3A_117 = arith.constant 0 : i32
      %cond3A_118 = arith.cmpi ne, %convert_element_type3A_116, %cond3A_117 : i32
      scf.if %cond3A_118 {
        %mul3A_256 = arith.constant 16 : i32
        %mul3A_257 = arith.muli %add3A_94, %mul3A_256 : i32
        %add3A_258 = arith.addi %mul3A_2, %mul3A_257 : i32
        %dma_wait3A_259 = arith.constant 0 : i32
        %dma_wait3A_260 = arith.constant 0 : i32
        %dma_wait3A_261 = arith.constant 0 : i32
        %dma_wait3A_262 = tpu.memref_slice %arg11[%dma_wait3A_259, %dma_wait3A_260, %dma_wait3A_261] : memref<3x16x1024xf32, #tpu.memory_space<vmem>> -> memref<1x16x1024xf32, #tpu.memory_space<vmem>>
        %dma_wait3A_263 = tpu.memref_squeeze %dma_wait3A_262 : memref<1x16x1024xf32, #tpu.memory_space<vmem>> -> memref<16x1024xf32, #tpu.memory_space<vmem>>
        %dma_wait3A_264 = arith.constant 0 : i32
        %dma_wait3A_265 = tpu.memref_slice %arg5[%add3A_258, %dma_wait3A_264] : memref<24576x1024xf32, #tpu.memory_space<hbm>> -> memref<16x1024xf32, #tpu.memory_space<hbm>>
        %dma_wait3A_266 = arith.constant 0 : i32
        %dma_wait3A_267 = tpu.memref_slice %arg5[%add3A_258, %dma_wait3A_266] : memref<24576x1024xf32, #tpu.memory_space<hbm>> -> memref<16x1024xf32, #tpu.memory_space<hbm>>
        %dma_wait3A_268 = arith.constant 0 : i32
        %dma_wait3A_269 = arith.constant 0 : i32
        %dma_wait3A_270 = tpu.memref_slice %arg11[%dma_wait3A_259, %dma_wait3A_268, %dma_wait3A_269] : memref<3x16x1024xf32, #tpu.memory_space<vmem>> -> memref<1x16x1024xf32, #tpu.memory_space<vmem>>
        %dma_wait3A_271 = tpu.memref_squeeze %dma_wait3A_270 : memref<1x16x1024xf32, #tpu.memory_space<vmem>> -> memref<16x1024xf32, #tpu.memory_space<vmem>>
        tpu.wait_dma2 semaphore(%arg15 : memref<!tpu.dma_semaphore, #tpu.memory_space<semaphore_mem>>) src(%dma_wait3A_271 : memref<16x1024xf32, #tpu.memory_space<vmem>>) dst(%dma_wait3A_267 : memref<16x1024xf32, #tpu.memory_space<hbm>>)
      } else {
      }
      %mul3A_119 = arith.constant 16 : i32
      %mul3A_120 = arith.muli %add3A_94, %mul3A_119 : i32
      %rem3A = arith.constant 384 : i32
      %rem3A_121 = arith.remsi %mul3A_120, %rem3A : i32
      %mul3A_122 = arith.constant 17 : i32
      %mul3A_123 = arith.muli %rem3A_121, %mul3A_122 : i32
      %parallel_loop3A = arith.constant 0 : i32
      %parallel_loop3A_124 = arith.constant 1024 : i32
      %parallel_loop3A_125 = arith.constant 1 : i32
      scf.for %parallel_loop3A_256 = %parallel_loop3A to %parallel_loop3A_124 step %parallel_loop3A_125  : i32 {
        %parallel_loop3A_257 = arith.constant 6 : i32
        %parallel_loop3A_258 = arith.shrui %parallel_loop3A_256, %parallel_loop3A_257 : i32
        %parallel_loop3A_259 = arith.constant 63 : i32
        %parallel_loop3A_260 = arith.andi %parallel_loop3A_256, %parallel_loop3A_259 : i32
        %parallel_loop3A_261 = arith.constant 4 : i32
        %parallel_loop3A_262 = arith.shli %parallel_loop3A_260, %parallel_loop3A_261 : i32
        %parallel_loop3A_263 = arith.constant 17 : i32
        %parallel_loop3A_264 = arith.muli %parallel_loop3A_258, %parallel_loop3A_263 : i32
        %parallel_loop3A_265 = arith.addi %mul3A_123, %parallel_loop3A_264 : i32
        %parallel_loop3A_266 = arith.constant 0 : i32
        %parallel_loop3A_267 = arith.index_cast %parallel_loop3A_266 : i32 to index
        %parallel_loop3A_268 = arith.index_cast %parallel_loop3A_258 : i32 to index
        %parallel_loop3A_269 = arith.index_cast %parallel_loop3A_262 : i32 to index
        %parallel_loop3A_270 = tpu.vector_load %arg10[%parallel_loop3A_267, %parallel_loop3A_268, %parallel_loop3A_269] {strides = array<i32>} : memref<3x16x1024xf32, #tpu.memory_space<vmem>>, vector<16xf32>,
        %parallel_loop3A_271 = arith.constant 7.500000e+00 : f32
        %parallel_loop3A_272 = vector.broadcast %parallel_loop3A_271 : f32 to vector<16xf32>
        %parallel_loop3A_273 = arith.mulf %parallel_loop3A_270, %parallel_loop3A_272 : vector<16xf32>
        %parallel_loop3A_274 = arith.constant 8.500000e+00 : f32
        %parallel_loop3A_275 = vector.broadcast %parallel_loop3A_274 : f32 to vector<16xf32>
        %parallel_loop3A_276 = arith.addf %parallel_loop3A_273, %parallel_loop3A_275 : vector<16xf32>
        %parallel_loop3A_277 = arith.constant 0.000000e+00 : f32
        %parallel_loop3A_278 = vector.broadcast %parallel_loop3A_277 : f32 to vector<16xf32>
        %parallel_loop3A_279 = arith.maximumf %parallel_loop3A_276, %parallel_loop3A_278 : vector<16xf32>
        %parallel_loop3A_280 = arith.constant 1.650000e+01 : f32
        %parallel_loop3A_281 = vector.broadcast %parallel_loop3A_280 : f32 to vector<16xf32>
        %parallel_loop3A_282 = arith.minimumf %parallel_loop3A_279, %parallel_loop3A_281 : vector<16xf32>
        %parallel_loop3A_283 = arith.fptosi %parallel_loop3A_282 : vector<16xf32> to vector<16xi32>
        %parallel_loop3A_284 = vector.broadcast %parallel_loop3A_265 : i32 to vector<16xi32>
        %parallel_loop3A_285 = arith.addi %parallel_loop3A_283, %parallel_loop3A_284 : vector<16xi32>
        %parallel_loop3A_286 = tpu.vector_load_idx %arg6[%parallel_loop3A_285] : memref<6528xf32, #tpu.memory_space<vmem>>[vector<16xi32>], vector<16xf32>,
        %parallel_loop3A_287 = tpu.vector_load_idx %arg7[%parallel_loop3A_285] : memref<6528xf32, #tpu.memory_space<vmem>>[vector<16xi32>], vector<16xf32>,
        %parallel_loop3A_288 = arith.mulf %parallel_loop3A_270, %parallel_loop3A_286 : vector<16xf32>
        %parallel_loop3A_289 = arith.addf %parallel_loop3A_288, %parallel_loop3A_287 : vector<16xf32>
        %parallel_loop3A_290 = arith.constant 0 : i32
        %parallel_loop3A_291 = arith.index_cast %parallel_loop3A_290 : i32 to index
        %parallel_loop3A_292 = arith.index_cast %parallel_loop3A_258 : i32 to index
        %parallel_loop3A_293 = arith.index_cast %parallel_loop3A_262 : i32 to index
        %parallel_loop3A_294 = tpu.vector_load %arg11[%parallel_loop3A_291, %parallel_loop3A_292, %parallel_loop3A_293] {strides = array<i32>} : memref<3x16x1024xf32, #tpu.memory_space<vmem>>, vector<16xf32>,
        tpu.vector_store %arg11[%parallel_loop3A_291, %parallel_loop3A_292, %parallel_loop3A_293], %parallel_loop3A_289 {strides = array<i32>} : memref<3x16x1024xf32, #tpu.memory_space<vmem>>, vector<16xf32>,
      } {sc.loop_unroll_factor = 8 : i64, sc.parallel_access}
      %mul3A_126 = arith.constant 16 : i32
      %mul3A_127 = arith.muli %add3A_94, %mul3A_126 : i32
      %add3A_128 = arith.addi %mul3A_2, %mul3A_127 : i32
      %dma_start3A_129 = arith.constant 0 : i32
      %dma_start3A_130 = arith.constant 0 : i32
      %dma_start3A_131 = arith.constant 0 : i32
      %dma_start3A_132 = tpu.memref_slice %arg11[%dma_start3A_129, %dma_start3A_130, %dma_start3A_131] : memref<3x16x1024xf32, #tpu.memory_space<vmem>> -> memref<1x16x1024xf32, #tpu.memory_space<vmem>>
      %dma_start3A_133 = tpu.memref_squeeze %dma_start3A_132 : memref<1x16x1024xf32, #tpu.memory_space<vmem>> -> memref<16x1024xf32, #tpu.memory_space<vmem>>
      %dma_start3A_134 = arith.constant 0 : i32
      %dma_start3A_135 = tpu.memref_slice %arg5[%add3A_128, %dma_start3A_134] : memref<24576x1024xf32, #tpu.memory_space<hbm>> -> memref<16x1024xf32, #tpu.memory_space<hbm>>
      %dma_start3A_136 = arith.constant 0 : i32
      %dma_start3A_137 = tpu.memref_slice %arg5[%add3A_128, %dma_start3A_136] : memref<24576x1024xf32, #tpu.memory_space<hbm>> -> memref<16x1024xf32, #tpu.memory_space<hbm>>
      %dma_start3A_138 = arith.constant 0 : i32
      %dma_start3A_139 = arith.constant 0 : i32
      %dma_start3A_140 = tpu.memref_slice %arg11[%dma_start3A_129, %dma_start3A_138, %dma_start3A_139] : memref<3x16x1024xf32, #tpu.memory_space<vmem>> -> memref<1x16x1024xf32, #tpu.memory_space<vmem>>
      %dma_start3A_141 = tpu.memref_squeeze %dma_start3A_140 : memref<1x16x1024xf32, #tpu.memory_space<vmem>> -> memref<16x1024xf32, #tpu.memory_space<vmem>>
      tpu.enqueue_dma source(%dma_start3A_141 : memref<16x1024xf32, #tpu.memory_space<vmem>>) target(%dma_start3A_137 : memref<16x1024xf32, #tpu.memory_space<hbm>>) target_semaphore(%arg15 : memref<!tpu.dma_semaphore, #tpu.memory_space<semaphore_mem>>)
      %mul3A_142 = arith.constant 3 : i32
      %mul3A_143 = arith.muli %scan3A_90, %mul3A_142 : i32
      %add3A_144 = arith.constant 1 : i32
      %add3A_145 = arith.addi %mul3A_143, %add3A_144 : i32
      %add3A_146 = arith.constant 2 : i32
      %add3A_147 = arith.addi %add3A_145, %add3A_146 : i32
      %lt3A_148 = arith.constant 48 : i32
      %lt3A_149 = arith.cmpi slt, %add3A_147, %lt3A_148 : i32
      %convert_element_type3A_150 = arith.extui %lt3A_149 : i1 to i32
      %cond3A_151 = arith.constant 0 : i32
      %cond3A_152 = arith.cmpi ne, %convert_element_type3A_150, %cond3A_151 : i32
      scf.if %cond3A_152 {
        %add3A_256 = arith.constant 2 : i32
        %add3A_257 = arith.addi %add3A_145, %add3A_256 : i32
        %mul3A_258 = arith.constant 16 : i32
        %mul3A_259 = arith.muli %add3A_257, %mul3A_258 : i32
        %add3A_260 = arith.addi %mul3A_2, %mul3A_259 : i32
        %dma_start3A_261 = arith.constant 0 : i32
        %dma_start3A_262 = arith.constant 0 : i32
        %dma_start3A_263 = arith.constant 0 : i32
        %dma_start3A_264 = tpu.memref_slice %arg10[%dma_start3A_261, %dma_start3A_262, %dma_start3A_263] : memref<3x16x1024xf32, #tpu.memory_space<vmem>> -> memref<1x16x1024xf32, #tpu.memory_space<vmem>>
        %dma_start3A_265 = tpu.memref_squeeze %dma_start3A_264 : memref<1x16x1024xf32, #tpu.memory_space<vmem>> -> memref<16x1024xf32, #tpu.memory_space<vmem>>
        %dma_start3A_266 = arith.constant 0 : i32
        %dma_start3A_267 = tpu.memref_slice %arg2[%add3A_260, %dma_start3A_266] : memref<24576x1024xf32, #tpu.memory_space<hbm>> -> memref<16x1024xf32, #tpu.memory_space<hbm>>
        %dma_start3A_268 = arith.constant 0 : i32
        %dma_start3A_269 = arith.constant 0 : i32
        %dma_start3A_270 = tpu.memref_slice %arg10[%dma_start3A_261, %dma_start3A_268, %dma_start3A_269] : memref<3x16x1024xf32, #tpu.memory_space<vmem>> -> memref<1x16x1024xf32, #tpu.memory_space<vmem>>
        %dma_start3A_271 = tpu.memref_squeeze %dma_start3A_270 : memref<1x16x1024xf32, #tpu.memory_space<vmem>> -> memref<16x1024xf32, #tpu.memory_space<vmem>>
        %dma_start3A_272 = arith.constant 0 : i32
        %dma_start3A_273 = tpu.memref_slice %arg2[%add3A_260, %dma_start3A_272] : memref<24576x1024xf32, #tpu.memory_space<hbm>> -> memref<16x1024xf32, #tpu.memory_space<hbm>>
        tpu.enqueue_dma source(%dma_start3A_273 : memref<16x1024xf32, #tpu.memory_space<hbm>>) target(%dma_start3A_271 : memref<16x1024xf32, #tpu.memory_space<vmem>>) target_semaphore(%arg12 : memref<!tpu.dma_semaphore, #tpu.memory_space<semaphore_mem>>)
      } else {
      }
      %mul3A_153 = arith.constant 16 : i32
      %mul3A_154 = arith.muli %add3A_145, %mul3A_153 : i32
      %add3A_155 = arith.addi %mul3A_2, %mul3A_154 : i32
      %dma_wait3A_156 = arith.constant 1 : i32
      %dma_wait3A_157 = arith.constant 0 : i32
      %dma_wait3A_158 = arith.constant 0 : i32
      %dma_wait3A_159 = tpu.memref_slice %arg10[%dma_wait3A_156, %dma_wait3A_157, %dma_wait3A_158] : memref<3x16x1024xf32, #tpu.memory_space<vmem>> -> memref<1x16x1024xf32, #tpu.memory_space<vmem>>
      %dma_wait3A_160 = tpu.memref_squeeze %dma_wait3A_159 : memref<1x16x1024xf32, #tpu.memory_space<vmem>> -> memref<16x1024xf32, #tpu.memory_space<vmem>>
      %dma_wait3A_161 = arith.constant 0 : i32
      %dma_wait3A_162 = tpu.memref_slice %arg2[%add3A_155, %dma_wait3A_161] : memref<24576x1024xf32, #tpu.memory_space<hbm>> -> memref<16x1024xf32, #tpu.memory_space<hbm>>
      %dma_wait3A_163 = arith.constant 0 : i32
      %dma_wait3A_164 = arith.constant 0 : i32
      %dma_wait3A_165 = tpu.memref_slice %arg10[%dma_wait3A_156, %dma_wait3A_163, %dma_wait3A_164] : memref<3x16x1024xf32, #tpu.memory_space<vmem>> -> memref<1x16x1024xf32, #tpu.memory_space<vmem>>
      %dma_wait3A_166 = tpu.memref_squeeze %dma_wait3A_165 : memref<1x16x1024xf32, #tpu.memory_space<vmem>> -> memref<16x1024xf32, #tpu.memory_space<vmem>>
      %dma_wait3A_167 = arith.constant 0 : i32
      %dma_wait3A_168 = tpu.memref_slice %arg2[%add3A_155, %dma_wait3A_167] : memref<24576x1024xf32, #tpu.memory_space<hbm>> -> memref<16x1024xf32, #tpu.memory_space<hbm>>
      tpu.wait_dma2 semaphore(%arg13 : memref<!tpu.dma_semaphore, #tpu.memory_space<semaphore_mem>>) src(%dma_wait3A_168 : memref<16x1024xf32, #tpu.memory_space<hbm>>) dst(%dma_wait3A_166 : memref<16x1024xf32, #tpu.memory_space<vmem>>)
      %ge3A_169 = arith.constant 3 : i32
      %ge3A_170 = arith.cmpi sge, %add3A_145, %ge3A_169 : i32
      %convert_element_type3A_171 = arith.extui %ge3A_170 : i1 to i32
      %cond3A_172 = arith.constant 0 : i32
      %cond3A_173 = arith.cmpi ne, %convert_element_type3A_171, %cond3A_172 : i32
      scf.if %cond3A_173 {
        %mul3A_256 = arith.constant 16 : i32
        %mul3A_257 = arith.muli %add3A_145, %mul3A_256 : i32
        %add3A_258 = arith.addi %mul3A_2, %mul3A_257 : i32
        %dma_wait3A_259 = arith.constant 1 : i32
        %dma_wait3A_260 = arith.constant 0 : i32
        %dma_wait3A_261 = arith.constant 0 : i32
        %dma_wait3A_262 = tpu.memref_slice %arg11[%dma_wait3A_259, %dma_wait3A_260, %dma_wait3A_261] : memref<3x16x1024xf32, #tpu.memory_space<vmem>> -> memref<1x16x1024xf32, #tpu.memory_space<vmem>>
        %dma_wait3A_263 = tpu.memref_squeeze %dma_wait3A_262 : memref<1x16x1024xf32, #tpu.memory_space<vmem>> -> memref<16x1024xf32, #tpu.memory_space<vmem>>
        %dma_wait3A_264 = arith.constant 0 : i32
        %dma_wait3A_265 = tpu.memref_slice %arg5[%add3A_258, %dma_wait3A_264] : memref<24576x1024xf32, #tpu.memory_space<hbm>> -> memref<16x1024xf32, #tpu.memory_space<hbm>>
        %dma_wait3A_266 = arith.constant 0 : i32
        %dma_wait3A_267 = tpu.memref_slice %arg5[%add3A_258, %dma_wait3A_266] : memref<24576x1024xf32, #tpu.memory_space<hbm>> -> memref<16x1024xf32, #tpu.memory_space<hbm>>
        %dma_wait3A_268 = arith.constant 0 : i32
        %dma_wait3A_269 = arith.constant 0 : i32
        %dma_wait3A_270 = tpu.memref_slice %arg11[%dma_wait3A_259, %dma_wait3A_268, %dma_wait3A_269] : memref<3x16x1024xf32, #tpu.memory_space<vmem>> -> memref<1x16x1024xf32, #tpu.memory_space<vmem>>
        %dma_wait3A_271 = tpu.memref_squeeze %dma_wait3A_270 : memref<1x16x1024xf32, #tpu.memory_space<vmem>> -> memref<16x1024xf32, #tpu.memory_space<vmem>>
        tpu.wait_dma2 semaphore(%arg16 : memref<!tpu.dma_semaphore, #tpu.memory_space<semaphore_mem>>) src(%dma_wait3A_271 : memref<16x1024xf32, #tpu.memory_space<vmem>>) dst(%dma_wait3A_267 : memref<16x1024xf32, #tpu.memory_space<hbm>>)
      } else {
      }
      %mul3A_174 = arith.constant 16 : i32
      %mul3A_175 = arith.muli %add3A_145, %mul3A_174 : i32
      %rem3A_176 = arith.constant 384 : i32
      %rem3A_177 = arith.remsi %mul3A_175, %rem3A_176 : i32
      %mul3A_178 = arith.constant 17 : i32
      %mul3A_179 = arith.muli %rem3A_177, %mul3A_178 : i32
      %parallel_loop3A_180 = arith.constant 0 : i32
      %parallel_loop3A_181 = arith.constant 1024 : i32
      %parallel_loop3A_182 = arith.constant 1 : i32
      scf.for %parallel_loop3A_256 = %parallel_loop3A_180 to %parallel_loop3A_181 step %parallel_loop3A_182  : i32 {
        %parallel_loop3A_257 = arith.constant 6 : i32
        %parallel_loop3A_258 = arith.shrui %parallel_loop3A_256, %parallel_loop3A_257 : i32
        %parallel_loop3A_259 = arith.constant 63 : i32
        %parallel_loop3A_260 = arith.andi %parallel_loop3A_256, %parallel_loop3A_259 : i32
        %parallel_loop3A_261 = arith.constant 4 : i32
        %parallel_loop3A_262 = arith.shli %parallel_loop3A_260, %parallel_loop3A_261 : i32
        %parallel_loop3A_263 = arith.constant 17 : i32
        %parallel_loop3A_264 = arith.muli %parallel_loop3A_258, %parallel_loop3A_263 : i32
        %parallel_loop3A_265 = arith.addi %mul3A_179, %parallel_loop3A_264 : i32
        %parallel_loop3A_266 = arith.constant 1 : i32
        %parallel_loop3A_267 = arith.index_cast %parallel_loop3A_266 : i32 to index
        %parallel_loop3A_268 = arith.index_cast %parallel_loop3A_258 : i32 to index
        %parallel_loop3A_269 = arith.index_cast %parallel_loop3A_262 : i32 to index
        %parallel_loop3A_270 = tpu.vector_load %arg10[%parallel_loop3A_267, %parallel_loop3A_268, %parallel_loop3A_269] {strides = array<i32>} : memref<3x16x1024xf32, #tpu.memory_space<vmem>>, vector<16xf32>,
        %parallel_loop3A_271 = arith.constant 7.500000e+00 : f32
        %parallel_loop3A_272 = vector.broadcast %parallel_loop3A_271 : f32 to vector<16xf32>
        %parallel_loop3A_273 = arith.mulf %parallel_loop3A_270, %parallel_loop3A_272 : vector<16xf32>
        %parallel_loop3A_274 = arith.constant 8.500000e+00 : f32
        %parallel_loop3A_275 = vector.broadcast %parallel_loop3A_274 : f32 to vector<16xf32>
        %parallel_loop3A_276 = arith.addf %parallel_loop3A_273, %parallel_loop3A_275 : vector<16xf32>
        %parallel_loop3A_277 = arith.constant 0.000000e+00 : f32
        %parallel_loop3A_278 = vector.broadcast %parallel_loop3A_277 : f32 to vector<16xf32>
        %parallel_loop3A_279 = arith.maximumf %parallel_loop3A_276, %parallel_loop3A_278 : vector<16xf32>
        %parallel_loop3A_280 = arith.constant 1.650000e+01 : f32
        %parallel_loop3A_281 = vector.broadcast %parallel_loop3A_280 : f32 to vector<16xf32>
        %parallel_loop3A_282 = arith.minimumf %parallel_loop3A_279, %parallel_loop3A_281 : vector<16xf32>
        %parallel_loop3A_283 = arith.fptosi %parallel_loop3A_282 : vector<16xf32> to vector<16xi32>
        %parallel_loop3A_284 = vector.broadcast %parallel_loop3A_265 : i32 to vector<16xi32>
        %parallel_loop3A_285 = arith.addi %parallel_loop3A_283, %parallel_loop3A_284 : vector<16xi32>
        %parallel_loop3A_286 = tpu.vector_load_idx %arg6[%parallel_loop3A_285] : memref<6528xf32, #tpu.memory_space<vmem>>[vector<16xi32>], vector<16xf32>,
        %parallel_loop3A_287 = tpu.vector_load_idx %arg7[%parallel_loop3A_285] : memref<6528xf32, #tpu.memory_space<vmem>>[vector<16xi32>], vector<16xf32>,
        %parallel_loop3A_288 = arith.mulf %parallel_loop3A_270, %parallel_loop3A_286 : vector<16xf32>
        %parallel_loop3A_289 = arith.addf %parallel_loop3A_288, %parallel_loop3A_287 : vector<16xf32>
        %parallel_loop3A_290 = arith.constant 1 : i32
        %parallel_loop3A_291 = arith.index_cast %parallel_loop3A_290 : i32 to index
        %parallel_loop3A_292 = arith.index_cast %parallel_loop3A_258 : i32 to index
        %parallel_loop3A_293 = arith.index_cast %parallel_loop3A_262 : i32 to index
        %parallel_loop3A_294 = tpu.vector_load %arg11[%parallel_loop3A_291, %parallel_loop3A_292, %parallel_loop3A_293] {strides = array<i32>} : memref<3x16x1024xf32, #tpu.memory_space<vmem>>, vector<16xf32>,
        tpu.vector_store %arg11[%parallel_loop3A_291, %parallel_loop3A_292, %parallel_loop3A_293], %parallel_loop3A_289 {strides = array<i32>} : memref<3x16x1024xf32, #tpu.memory_space<vmem>>, vector<16xf32>,
      } {sc.loop_unroll_factor = 8 : i64, sc.parallel_access}
      %mul3A_183 = arith.constant 16 : i32
      %mul3A_184 = arith.muli %add3A_145, %mul3A_183 : i32
      %add3A_185 = arith.addi %mul3A_2, %mul3A_184 : i32
      %dma_start3A_186 = arith.constant 1 : i32
      %dma_start3A_187 = arith.constant 0 : i32
      %dma_start3A_188 = arith.constant 0 : i32
      %dma_start3A_189 = tpu.memref_slice %arg11[%dma_start3A_186, %dma_start3A_187, %dma_start3A_188] : memref<3x16x1024xf32, #tpu.memory_space<vmem>> -> memref<1x16x1024xf32, #tpu.memory_space<vmem>>
      %dma_start3A_190 = tpu.memref_squeeze %dma_start3A_189 : memref<1x16x1024xf32, #tpu.memory_space<vmem>> -> memref<16x1024xf32, #tpu.memory_space<vmem>>
      %dma_start3A_191 = arith.constant 0 : i32
      %dma_start3A_192 = tpu.memref_slice %arg5[%add3A_185, %dma_start3A_191] : memref<24576x1024xf32, #tpu.memory_space<hbm>> -> memref<16x1024xf32, #tpu.memory_space<hbm>>
      %dma_start3A_193 = arith.constant 0 : i32
      %dma_start3A_194 = tpu.memref_slice %arg5[%add3A_185, %dma_start3A_193] : memref<24576x1024xf32, #tpu.memory_space<hbm>> -> memref<16x1024xf32, #tpu.memory_space<hbm>>
      %dma_start3A_195 = arith.constant 0 : i32
      %dma_start3A_196 = arith.constant 0 : i32
      %dma_start3A_197 = tpu.memref_slice %arg11[%dma_start3A_186, %dma_start3A_195, %dma_start3A_196] : memref<3x16x1024xf32, #tpu.memory_space<vmem>> -> memref<1x16x1024xf32, #tpu.memory_space<vmem>>
      %dma_start3A_198 = tpu.memref_squeeze %dma_start3A_197 : memref<1x16x1024xf32, #tpu.memory_space<vmem>> -> memref<16x1024xf32, #tpu.memory_space<vmem>>
      tpu.enqueue_dma source(%dma_start3A_198 : memref<16x1024xf32, #tpu.memory_space<vmem>>) target(%dma_start3A_194 : memref<16x1024xf32, #tpu.memory_space<hbm>>) target_semaphore(%arg16 : memref<!tpu.dma_semaphore, #tpu.memory_space<semaphore_mem>>)
      %mul3A_199 = arith.constant 3 : i32
      %mul3A_200 = arith.muli %scan3A_90, %mul3A_199 : i32
      %add3A_201 = arith.constant 2 : i32
      %add3A_202 = arith.addi %mul3A_200, %add3A_201 : i32
      %add3A_203 = arith.constant 2 : i32
      %add3A_204 = arith.addi %add3A_202, %add3A_203 : i32
      %lt3A_205 = arith.constant 48 : i32
      %lt3A_206 = arith.cmpi slt, %add3A_204, %lt3A_205 : i32
      %convert_element_type3A_207 = arith.extui %lt3A_206 : i1 to i32
      %cond3A_208 = arith.constant 0 : i32
      %cond3A_209 = arith.cmpi ne, %convert_element_type3A_207, %cond3A_208 : i32
      scf.if %cond3A_209 {
        %add3A_256 = arith.constant 2 : i32
        %add3A_257 = arith.addi %add3A_202, %add3A_256 : i32
        %mul3A_258 = arith.constant 16 : i32
        %mul3A_259 = arith.muli %add3A_257, %mul3A_258 : i32
        %add3A_260 = arith.addi %mul3A_2, %mul3A_259 : i32
        %dma_start3A_261 = arith.constant 1 : i32
        %dma_start3A_262 = arith.constant 0 : i32
        %dma_start3A_263 = arith.constant 0 : i32
        %dma_start3A_264 = tpu.memref_slice %arg10[%dma_start3A_261, %dma_start3A_262, %dma_start3A_263] : memref<3x16x1024xf32, #tpu.memory_space<vmem>> -> memref<1x16x1024xf32, #tpu.memory_space<vmem>>
        %dma_start3A_265 = tpu.memref_squeeze %dma_start3A_264 : memref<1x16x1024xf32, #tpu.memory_space<vmem>> -> memref<16x1024xf32, #tpu.memory_space<vmem>>
        %dma_start3A_266 = arith.constant 0 : i32
        %dma_start3A_267 = tpu.memref_slice %arg2[%add3A_260, %dma_start3A_266] : memref<24576x1024xf32, #tpu.memory_space<hbm>> -> memref<16x1024xf32, #tpu.memory_space<hbm>>
        %dma_start3A_268 = arith.constant 0 : i32
        %dma_start3A_269 = arith.constant 0 : i32
        %dma_start3A_270 = tpu.memref_slice %arg10[%dma_start3A_261, %dma_start3A_268, %dma_start3A_269] : memref<3x16x1024xf32, #tpu.memory_space<vmem>> -> memref<1x16x1024xf32, #tpu.memory_space<vmem>>
        %dma_start3A_271 = tpu.memref_squeeze %dma_start3A_270 : memref<1x16x1024xf32, #tpu.memory_space<vmem>> -> memref<16x1024xf32, #tpu.memory_space<vmem>>
        %dma_start3A_272 = arith.constant 0 : i32
        %dma_start3A_273 = tpu.memref_slice %arg2[%add3A_260, %dma_start3A_272] : memref<24576x1024xf32, #tpu.memory_space<hbm>> -> memref<16x1024xf32, #tpu.memory_space<hbm>>
        tpu.enqueue_dma source(%dma_start3A_273 : memref<16x1024xf32, #tpu.memory_space<hbm>>) target(%dma_start3A_271 : memref<16x1024xf32, #tpu.memory_space<vmem>>) target_semaphore(%arg13 : memref<!tpu.dma_semaphore, #tpu.memory_space<semaphore_mem>>)
      } else {
      }
      %mul3A_210 = arith.constant 16 : i32
      %mul3A_211 = arith.muli %add3A_202, %mul3A_210 : i32
      %add3A_212 = arith.addi %mul3A_2, %mul3A_211 : i32
      %dma_wait3A_213 = arith.constant 2 : i32
      %dma_wait3A_214 = arith.constant 0 : i32
      %dma_wait3A_215 = arith.constant 0 : i32
      %dma_wait3A_216 = tpu.memref_slice %arg10[%dma_wait3A_213, %dma_wait3A_214, %dma_wait3A_215] : memref<3x16x1024xf32, #tpu.memory_space<vmem>> -> memref<1x16x1024xf32, #tpu.memory_space<vmem>>
      %dma_wait3A_217 = tpu.memref_squeeze %dma_wait3A_216 : memref<1x16x1024xf32, #tpu.memory_space<vmem>> -> memref<16x1024xf32, #tpu.memory_space<vmem>>
      %dma_wait3A_218 = arith.constant 0 : i32
      %dma_wait3A_219 = tpu.memref_slice %arg2[%add3A_212, %dma_wait3A_218] : memref<24576x1024xf32, #tpu.memory_space<hbm>> -> memref<16x1024xf32, #tpu.memory_space<hbm>>
      %dma_wait3A_220 = arith.constant 0 : i32
      %dma_wait3A_221 = arith.constant 0 : i32
      %dma_wait3A_222 = tpu.memref_slice %arg10[%dma_wait3A_213, %dma_wait3A_220, %dma_wait3A_221] : memref<3x16x1024xf32, #tpu.memory_space<vmem>> -> memref<1x16x1024xf32, #tpu.memory_space<vmem>>
      %dma_wait3A_223 = tpu.memref_squeeze %dma_wait3A_222 : memref<1x16x1024xf32, #tpu.memory_space<vmem>> -> memref<16x1024xf32, #tpu.memory_space<vmem>>
      %dma_wait3A_224 = arith.constant 0 : i32
      %dma_wait3A_225 = tpu.memref_slice %arg2[%add3A_212, %dma_wait3A_224] : memref<24576x1024xf32, #tpu.memory_space<hbm>> -> memref<16x1024xf32, #tpu.memory_space<hbm>>
      tpu.wait_dma2 semaphore(%arg14 : memref<!tpu.dma_semaphore, #tpu.memory_space<semaphore_mem>>) src(%dma_wait3A_225 : memref<16x1024xf32, #tpu.memory_space<hbm>>) dst(%dma_wait3A_223 : memref<16x1024xf32, #tpu.memory_space<vmem>>)
      %ge3A_226 = arith.constant 3 : i32
      %ge3A_227 = arith.cmpi sge, %add3A_202, %ge3A_226 : i32
      %convert_element_type3A_228 = arith.extui %ge3A_227 : i1 to i32
      %cond3A_229 = arith.constant 0 : i32
      %cond3A_230 = arith.cmpi ne, %convert_element_type3A_228, %cond3A_229 : i32
      scf.if %cond3A_230 {
        %mul3A_256 = arith.constant 16 : i32
        %mul3A_257 = arith.muli %add3A_202, %mul3A_256 : i32
        %add3A_258 = arith.addi %mul3A_2, %mul3A_257 : i32
        %dma_wait3A_259 = arith.constant 2 : i32
        %dma_wait3A_260 = arith.constant 0 : i32
        %dma_wait3A_261 = arith.constant 0 : i32
        %dma_wait3A_262 = tpu.memref_slice %arg11[%dma_wait3A_259, %dma_wait3A_260, %dma_wait3A_261] : memref<3x16x1024xf32, #tpu.memory_space<vmem>> -> memref<1x16x1024xf32, #tpu.memory_space<vmem>>
        %dma_wait3A_263 = tpu.memref_squeeze %dma_wait3A_262 : memref<1x16x1024xf32, #tpu.memory_space<vmem>> -> memref<16x1024xf32, #tpu.memory_space<vmem>>
        %dma_wait3A_264 = arith.constant 0 : i32
        %dma_wait3A_265 = tpu.memref_slice %arg5[%add3A_258, %dma_wait3A_264] : memref<24576x1024xf32, #tpu.memory_space<hbm>> -> memref<16x1024xf32, #tpu.memory_space<hbm>>
        %dma_wait3A_266 = arith.constant 0 : i32
        %dma_wait3A_267 = tpu.memref_slice %arg5[%add3A_258, %dma_wait3A_266] : memref<24576x1024xf32, #tpu.memory_space<hbm>> -> memref<16x1024xf32, #tpu.memory_space<hbm>>
        %dma_wait3A_268 = arith.constant 0 : i32
        %dma_wait3A_269 = arith.constant 0 : i32
        %dma_wait3A_270 = tpu.memref_slice %arg11[%dma_wait3A_259, %dma_wait3A_268, %dma_wait3A_269] : memref<3x16x1024xf32, #tpu.memory_space<vmem>> -> memref<1x16x1024xf32, #tpu.memory_space<vmem>>
        %dma_wait3A_271 = tpu.memref_squeeze %dma_wait3A_270 : memref<1x16x1024xf32, #tpu.memory_space<vmem>> -> memref<16x1024xf32, #tpu.memory_space<vmem>>
        tpu.wait_dma2 semaphore(%arg17 : memref<!tpu.dma_semaphore, #tpu.memory_space<semaphore_mem>>) src(%dma_wait3A_271 : memref<16x1024xf32, #tpu.memory_space<vmem>>) dst(%dma_wait3A_267 : memref<16x1024xf32, #tpu.memory_space<hbm>>)
      } else {
      }
      %mul3A_231 = arith.constant 16 : i32
      %mul3A_232 = arith.muli %add3A_202, %mul3A_231 : i32
      %rem3A_233 = arith.constant 384 : i32
      %rem3A_234 = arith.remsi %mul3A_232, %rem3A_233 : i32
      %mul3A_235 = arith.constant 17 : i32
      %mul3A_236 = arith.muli %rem3A_234, %mul3A_235 : i32
      %parallel_loop3A_237 = arith.constant 0 : i32
      %parallel_loop3A_238 = arith.constant 1024 : i32
      %parallel_loop3A_239 = arith.constant 1 : i32
      scf.for %parallel_loop3A_256 = %parallel_loop3A_237 to %parallel_loop3A_238 step %parallel_loop3A_239  : i32 {
        %parallel_loop3A_257 = arith.constant 6 : i32
        %parallel_loop3A_258 = arith.shrui %parallel_loop3A_256, %parallel_loop3A_257 : i32
        %parallel_loop3A_259 = arith.constant 63 : i32
        %parallel_loop3A_260 = arith.andi %parallel_loop3A_256, %parallel_loop3A_259 : i32
        %parallel_loop3A_261 = arith.constant 4 : i32
        %parallel_loop3A_262 = arith.shli %parallel_loop3A_260, %parallel_loop3A_261 : i32
        %parallel_loop3A_263 = arith.constant 17 : i32
        %parallel_loop3A_264 = arith.muli %parallel_loop3A_258, %parallel_loop3A_263 : i32
        %parallel_loop3A_265 = arith.addi %mul3A_236, %parallel_loop3A_264 : i32
        %parallel_loop3A_266 = arith.constant 2 : i32
        %parallel_loop3A_267 = arith.index_cast %parallel_loop3A_266 : i32 to index
        %parallel_loop3A_268 = arith.index_cast %parallel_loop3A_258 : i32 to index
        %parallel_loop3A_269 = arith.index_cast %parallel_loop3A_262 : i32 to index
        %parallel_loop3A_270 = tpu.vector_load %arg10[%parallel_loop3A_267, %parallel_loop3A_268, %parallel_loop3A_269] {strides = array<i32>} : memref<3x16x1024xf32, #tpu.memory_space<vmem>>, vector<16xf32>,
        %parallel_loop3A_271 = arith.constant 7.500000e+00 : f32
        %parallel_loop3A_272 = vector.broadcast %parallel_loop3A_271 : f32 to vector<16xf32>
        %parallel_loop3A_273 = arith.mulf %parallel_loop3A_270, %parallel_loop3A_272 : vector<16xf32>
        %parallel_loop3A_274 = arith.constant 8.500000e+00 : f32
        %parallel_loop3A_275 = vector.broadcast %parallel_loop3A_274 : f32 to vector<16xf32>
        %parallel_loop3A_276 = arith.addf %parallel_loop3A_273, %parallel_loop3A_275 : vector<16xf32>
        %parallel_loop3A_277 = arith.constant 0.000000e+00 : f32
        %parallel_loop3A_278 = vector.broadcast %parallel_loop3A_277 : f32 to vector<16xf32>
        %parallel_loop3A_279 = arith.maximumf %parallel_loop3A_276, %parallel_loop3A_278 : vector<16xf32>
        %parallel_loop3A_280 = arith.constant 1.650000e+01 : f32
        %parallel_loop3A_281 = vector.broadcast %parallel_loop3A_280 : f32 to vector<16xf32>
        %parallel_loop3A_282 = arith.minimumf %parallel_loop3A_279, %parallel_loop3A_281 : vector<16xf32>
        %parallel_loop3A_283 = arith.fptosi %parallel_loop3A_282 : vector<16xf32> to vector<16xi32>
        %parallel_loop3A_284 = vector.broadcast %parallel_loop3A_265 : i32 to vector<16xi32>
        %parallel_loop3A_285 = arith.addi %parallel_loop3A_283, %parallel_loop3A_284 : vector<16xi32>
        %parallel_loop3A_286 = tpu.vector_load_idx %arg6[%parallel_loop3A_285] : memref<6528xf32, #tpu.memory_space<vmem>>[vector<16xi32>], vector<16xf32>,
        %parallel_loop3A_287 = tpu.vector_load_idx %arg7[%parallel_loop3A_285] : memref<6528xf32, #tpu.memory_space<vmem>>[vector<16xi32>], vector<16xf32>,
        %parallel_loop3A_288 = arith.mulf %parallel_loop3A_270, %parallel_loop3A_286 : vector<16xf32>
        %parallel_loop3A_289 = arith.addf %parallel_loop3A_288, %parallel_loop3A_287 : vector<16xf32>
        %parallel_loop3A_290 = arith.constant 2 : i32
        %parallel_loop3A_291 = arith.index_cast %parallel_loop3A_290 : i32 to index
        %parallel_loop3A_292 = arith.index_cast %parallel_loop3A_258 : i32 to index
        %parallel_loop3A_293 = arith.index_cast %parallel_loop3A_262 : i32 to index
        %parallel_loop3A_294 = tpu.vector_load %arg11[%parallel_loop3A_291, %parallel_loop3A_292, %parallel_loop3A_293] {strides = array<i32>} : memref<3x16x1024xf32, #tpu.memory_space<vmem>>, vector<16xf32>,
        tpu.vector_store %arg11[%parallel_loop3A_291, %parallel_loop3A_292, %parallel_loop3A_293], %parallel_loop3A_289 {strides = array<i32>} : memref<3x16x1024xf32, #tpu.memory_space<vmem>>, vector<16xf32>,
      } {sc.loop_unroll_factor = 8 : i64, sc.parallel_access}
      %mul3A_240 = arith.constant 16 : i32
      %mul3A_241 = arith.muli %add3A_202, %mul3A_240 : i32
      %add3A_242 = arith.addi %mul3A_2, %mul3A_241 : i32
      %dma_start3A_243 = arith.constant 2 : i32
      %dma_start3A_244 = arith.constant 0 : i32
      %dma_start3A_245 = arith.constant 0 : i32
      %dma_start3A_246 = tpu.memref_slice %arg11[%dma_start3A_243, %dma_start3A_244, %dma_start3A_245] : memref<3x16x1024xf32, #tpu.memory_space<vmem>> -> memref<1x16x1024xf32, #tpu.memory_space<vmem>>
      %dma_start3A_247 = tpu.memref_squeeze %dma_start3A_246 : memref<1x16x1024xf32, #tpu.memory_space<vmem>> -> memref<16x1024xf32, #tpu.memory_space<vmem>>
      %dma_start3A_248 = arith.constant 0 : i32
      %dma_start3A_249 = tpu.memref_slice %arg5[%add3A_242, %dma_start3A_248] : memref<24576x1024xf32, #tpu.memory_space<hbm>> -> memref<16x1024xf32, #tpu.memory_space<hbm>>
      %dma_start3A_250 = arith.constant 0 : i32
      %dma_start3A_251 = tpu.memref_slice %arg5[%add3A_242, %dma_start3A_250] : memref<24576x1024xf32, #tpu.memory_space<hbm>> -> memref<16x1024xf32, #tpu.memory_space<hbm>>
      %dma_start3A_252 = arith.constant 0 : i32
      %dma_start3A_253 = arith.constant 0 : i32
      %dma_start3A_254 = tpu.memref_slice %arg11[%dma_start3A_243, %dma_start3A_252, %dma_start3A_253] : memref<3x16x1024xf32, #tpu.memory_space<vmem>> -> memref<1x16x1024xf32, #tpu.memory_space<vmem>>
      %dma_start3A_255 = tpu.memref_squeeze %dma_start3A_254 : memref<1x16x1024xf32, #tpu.memory_space<vmem>> -> memref<16x1024xf32, #tpu.memory_space<vmem>>
      tpu.enqueue_dma source(%dma_start3A_255 : memref<16x1024xf32, #tpu.memory_space<vmem>>) target(%dma_start3A_251 : memref<16x1024xf32, #tpu.memory_space<hbm>>) target_semaphore(%arg17 : memref<!tpu.dma_semaphore, #tpu.memory_space<semaphore_mem>>)
    }
    %scan3A_45 = arith.constant 16 : i32
    %add3A_46 = arith.constant 720 : i32
    %add3A_47 = arith.addi %mul3A_2, %add3A_46 : i32
    %dma_wait3A = arith.constant 0 : i32
    %dma_wait3A_48 = arith.constant 0 : i32
    %dma_wait3A_49 = arith.constant 0 : i32
    %dma_wait3A_50 = tpu.memref_slice %arg11[%dma_wait3A, %dma_wait3A_48, %dma_wait3A_49] : memref<3x16x1024xf32, #tpu.memory_space<vmem>> -> memref<1x16x1024xf32, #tpu.memory_space<vmem>>
    %dma_wait3A_51 = tpu.memref_squeeze %dma_wait3A_50 : memref<1x16x1024xf32, #tpu.memory_space<vmem>> -> memref<16x1024xf32, #tpu.memory_space<vmem>>
    %dma_wait3A_52 = arith.constant 0 : i32
    %dma_wait3A_53 = tpu.memref_slice %arg5[%add3A_47, %dma_wait3A_52] : memref<24576x1024xf32, #tpu.memory_space<hbm>> -> memref<16x1024xf32, #tpu.memory_space<hbm>>
    %dma_wait3A_54 = arith.constant 0 : i32
    %dma_wait3A_55 = tpu.memref_slice %arg5[%add3A_47, %dma_wait3A_54] : memref<24576x1024xf32, #tpu.memory_space<hbm>> -> memref<16x1024xf32, #tpu.memory_space<hbm>>
    %dma_wait3A_56 = arith.constant 0 : i32
    %dma_wait3A_57 = arith.constant 0 : i32
    %dma_wait3A_58 = tpu.memref_slice %arg11[%dma_wait3A, %dma_wait3A_56, %dma_wait3A_57] : memref<3x16x1024xf32, #tpu.memory_space<vmem>> -> memref<1x16x1024xf32, #tpu.memory_space<vmem>>
    %dma_wait3A_59 = tpu.memref_squeeze %dma_wait3A_58 : memref<1x16x1024xf32, #tpu.memory_space<vmem>> -> memref<16x1024xf32, #tpu.memory_space<vmem>>
    tpu.wait_dma2 semaphore(%arg15 : memref<!tpu.dma_semaphore, #tpu.memory_space<semaphore_mem>>) src(%dma_wait3A_59 : memref<16x1024xf32, #tpu.memory_space<vmem>>) dst(%dma_wait3A_55 : memref<16x1024xf32, #tpu.memory_space<hbm>>)
    %add3A_60 = arith.constant 736 : i32
    %add3A_61 = arith.addi %mul3A_2, %add3A_60 : i32
    %dma_wait3A_62 = arith.constant 1 : i32
    %dma_wait3A_63 = arith.constant 0 : i32
    %dma_wait3A_64 = arith.constant 0 : i32
    %dma_wait3A_65 = tpu.memref_slice %arg11[%dma_wait3A_62, %dma_wait3A_63, %dma_wait3A_64] : memref<3x16x1024xf32, #tpu.memory_space<vmem>> -> memref<1x16x1024xf32, #tpu.memory_space<vmem>>
    %dma_wait3A_66 = tpu.memref_squeeze %dma_wait3A_65 : memref<1x16x1024xf32, #tpu.memory_space<vmem>> -> memref<16x1024xf32, #tpu.memory_space<vmem>>
    %dma_wait3A_67 = arith.constant 0 : i32
    %dma_wait3A_68 = tpu.memref_slice %arg5[%add3A_61, %dma_wait3A_67] : memref<24576x1024xf32, #tpu.memory_space<hbm>> -> memref<16x1024xf32, #tpu.memory_space<hbm>>
    %dma_wait3A_69 = arith.constant 0 : i32
    %dma_wait3A_70 = tpu.memref_slice %arg5[%add3A_61, %dma_wait3A_69] : memref<24576x1024xf32, #tpu.memory_space<hbm>> -> memref<16x1024xf32, #tpu.memory_space<hbm>>
    %dma_wait3A_71 = arith.constant 0 : i32
    %dma_wait3A_72 = arith.constant 0 : i32
    %dma_wait3A_73 = tpu.memref_slice %arg11[%dma_wait3A_62, %dma_wait3A_71, %dma_wait3A_72] : memref<3x16x1024xf32, #tpu.memory_space<vmem>> -> memref<1x16x1024xf32, #tpu.memory_space<vmem>>
    %dma_wait3A_74 = tpu.memref_squeeze %dma_wait3A_73 : memref<1x16x1024xf32, #tpu.memory_space<vmem>> -> memref<16x1024xf32, #tpu.memory_space<vmem>>
    tpu.wait_dma2 semaphore(%arg16 : memref<!tpu.dma_semaphore, #tpu.memory_space<semaphore_mem>>) src(%dma_wait3A_74 : memref<16x1024xf32, #tpu.memory_space<vmem>>) dst(%dma_wait3A_70 : memref<16x1024xf32, #tpu.memory_space<hbm>>)
    %add3A_75 = arith.constant 752 : i32
    %add3A_76 = arith.addi %mul3A_2, %add3A_75 : i32
    %dma_wait3A_77 = arith.constant 2 : i32
    %dma_wait3A_78 = arith.constant 0 : i32
    %dma_wait3A_79 = arith.constant 0 : i32
    %dma_wait3A_80 = tpu.memref_slice %arg11[%dma_wait3A_77, %dma_wait3A_78, %dma_wait3A_79] : memref<3x16x1024xf32, #tpu.memory_space<vmem>> -> memref<1x16x1024xf32, #tpu.memory_space<vmem>>
    %dma_wait3A_81 = tpu.memref_squeeze %dma_wait3A_80 : memref<1x16x1024xf32, #tpu.memory_space<vmem>> -> memref<16x1024xf32, #tpu.memory_space<vmem>>
    %dma_wait3A_82 = arith.constant 0 : i32
    %dma_wait3A_83 = tpu.memref_slice %arg5[%add3A_76, %dma_wait3A_82] : memref<24576x1024xf32, #tpu.memory_space<hbm>> -> memref<16x1024xf32, #tpu.memory_space<hbm>>
    %dma_wait3A_84 = arith.constant 0 : i32
    %dma_wait3A_85 = tpu.memref_slice %arg5[%add3A_76, %dma_wait3A_84] : memref<24576x1024xf32, #tpu.memory_space<hbm>> -> memref<16x1024xf32, #tpu.memory_space<hbm>>
    %dma_wait3A_86 = arith.constant 0 : i32
    %dma_wait3A_87 = arith.constant 0 : i32
    %dma_wait3A_88 = tpu.memref_slice %arg11[%dma_wait3A_77, %dma_wait3A_86, %dma_wait3A_87] : memref<3x16x1024xf32, #tpu.memory_space<vmem>> -> memref<1x16x1024xf32, #tpu.memory_space<vmem>>
    %dma_wait3A_89 = tpu.memref_squeeze %dma_wait3A_88 : memref<1x16x1024xf32, #tpu.memory_space<vmem>> -> memref<16x1024xf32, #tpu.memory_space<vmem>>
    tpu.wait_dma2 semaphore(%arg17 : memref<!tpu.dma_semaphore, #tpu.memory_space<semaphore_mem>>) src(%dma_wait3A_89 : memref<16x1024xf32, #tpu.memory_space<vmem>>) dst(%dma_wait3A_85 : memref<16x1024xf32, #tpu.memory_space<hbm>>)
    return
  }
}

</mosaic_0001>

<sc_bundles>
// kernel: kernel.3.cloned.1.call-start
scs
__scs_entry_jumppad:
0x0: {  	(pc) =	sbr.rel $0x88, $3  }
0x1: {  	(tag) =	ssettag $0x0;
	lr =	simm.s32 $0x1  }
0x2: {  	[smem:$0x3F9E] =	sst lr;
	_ =	strace $0xD0000000  }
0x3: {  	_ = 	snop  }
0x4: {  	_ = 	snop  }
0x5: {  	_ = 	snop  }
0x6: {  	_ = 	snop  }
0x7: {  	_ = 	snop  }
__scs_overlays_trampoline_lowered:
0x8: {  	[smem:$0x3FAD] =	sst s0  }
0x9: {  	[smem:$0x3FAE] =	sst s1  }
0xa: {  	[smem:$0x3FAF] =	sst s2  }
0xb: {  	[smem:$0x3FB0] =	sst s3  }
0xc: {  	[smem:$0x3FB1] =	sst s4  }
0xd: {  	[smem:$0x3FB2] =	sst s5  }
0xe: {  	[smem:$0x3FB3] =	sst s6  }
0xf: {  	[smem:$0x3FB4] =	sst s7  }
0x10: {  	[smem:$0x3FB5] =	sst s8  }
0x11: {  	[smem:$0x3FB6] =	sst s9;
	s0 =	simm.s32 @!p0 $0x0  }
0x12: {  	s1 =	sld [smem:$0x3F9C];
	s0 =	simm.s32 @p0 $0x1  }
0x13: {  	[smem:$0x3FB7] =	sst s0;
	s0 =	simm.s32 @!p1 $0x0  }
0x14: {  	s2 =	sld [smem:$0x3F9B];
	s0 =	simm.s32 @p1 $0x1  }
0x15: {  	[smem:$0x3FB8] =	sst s0;
	s0 =	simm.s32 @!p2 $0x0  }
0x16: {  	s3 =	sld [smem:$0x3FDB];
	s0 =	simm.s32 @p2 $0x1  }
0x17: {  	s4 =	simm.s32 $0x1BF5;
	[smem:$0x3FBA] =	sst s0  }
0x18: {  	s0 =	sld [smem:$0x3F9D];
	_ =	swait.ge [sflag:s4], $0x0  }
0x19: {  	s7 =	sld [smem:$0x3F9E]  }
0x1a: {  	s8 =	sadd.s32 $0xFFFFE003, lr  }
0x1b: {  	s9 =	sadd.s32 $0xFFFFFEF7, lr;
	s5 =	simm.s32 $0xFFFFFFFF;
	p2 =	slt.u32 s8, $0xFFFFF086  }
0x1c: {  	p1 =	slt.u32 s9, $0xF7A;
	s5 =	simm.s32 @!p2 $0x0  }
0x1d: {  	s5 =	simm.s32 @p1 $0x1;
	p0 =	seq.s32 s7, s2  }
0x1e: {  	s7 =	smul.u32 @!p0 $0xF7A, s2;
	p2 =	seq.s32 @!p0 s5, $0x0  }
0x1f: {  	s9 =	smul.u32 $0xF7A, s1;
	s8 =	simm.s32 @!p0 $0x1BF5;
	p2 =	por !p2, p0  }
0x20: {  	[sflag:s8] =	ssyncset.s32 @!p0 $0xFFFFF086;
	s6 =	sadd.s32 @!p0 s3, s7;
	s7 =	simm.s32 @!p0 $0x108  }
0x21: {  	s3 =	sadd.s32 s3, s9;
	s6 =	sadd.s32 @!p0 $0x88, s6;
	s7 =	simm.s32 @p2 $0x1082  }
0x22: {  	[simem:s7], [sflag:s8] =	dma.local @!p0 [hbm:s6], $0xF7A  }
0x23: {  	s9 =	sor.u32 $0xD0000000, s2;
	s6 =	simm.s32 $0x108;
	_ =	swait.ge @!p0 [sflag:s8], $0x0  }
0x24: {  	s3 =	sadd.s32 $0x88, s3;
	s6 =	simm.s32 @!p1 $0x1082;
	[sflag:s4] =	ssyncset.s32 $0xFFFFF086  }
0x25: {  	[simem:s6], [sflag:s4] =	dma.local [hbm:s3], $0xF7A  }
0x26: {  	[smem:$0x3F9E] =	sst s1;
	(tag) =	ssettag s2;
	_ =	strace s9  }
0x27: {  	s1 =	sld [smem:$0x3FAE]  }
0x28: {  	s2 =	sld [smem:$0x3FAF]  }
0x29: {  	s4 =	sld [smem:$0x3FB1]  }
0x2a: {  	p0 =	seq.s32 s5, $0x0;
	s5 =	sld [smem:$0x3FB2]  }
0x2b: {  	s6 =	sld [smem:$0x3FB3]  }
0x2c: {  	s7 =	sld [smem:$0x3FB4]  }
0x2d: {  	s3 =	simm.s32 $0x108;
	s8 =	sld [smem:$0x3FB5]  }
0x2e: {  	s3 =	simm.s32 @!p0 $0x1082;
	s9 =	sld [smem:$0x3FB6]  }
0x2f: {  	lr =	sadd.s32 s0, s3;
	s0 =	sld [smem:$0x3FAD]  }
0x30: {  	s3 =	sld [smem:$0x3FB0]  }
0x31: {  	[smem:$0x3FB9] =	sst s10  }
0x32: {  	s10 =	sld [smem:$0x3FB7];
	_ =	sdelay $0x3  }
0x33: {  	p0 =	seq.s32 s10, $0x1;
	s10 =	sld [smem:$0x3FB9];
	_ =	sdelay $0x3  }
0x34: {  	[smem:$0x3FB9] =	sst s10  }
0x35: {  	s10 =	sld [smem:$0x3FB8];
	_ =	sdelay $0x3  }
0x36: {  	p1 =	seq.s32 s10, $0x1;
	s10 =	sld [smem:$0x3FB9];
	_ =	sdelay $0x3  }
0x37: {  	[smem:$0x3FB9] =	sst s10  }
0x38: {  	s10 =	sld [smem:$0x3FBA]  }
0x39: {  	_ = 	snop;
	(pc) =	sbr.ind lr, $3  }
0x3a: {  	_ = 	snop  }
0x3b: {  	_ = 	snop  }
0x3c: {  	p2 =	seq.s32 s10, $0x1;
	s10 =	sld [smem:$0x3FB9]  }
0x3d: {  	_ =	shalt  }
0x3e: {  	_ =	shalt  }
0x3f: {  	_ =	shalt  }
0x40: {  	_ =	shalt  }
0x41: {  	_ =	shalt  }
0x42: {  	_ =	shalt  }
0x43: {  	_ =	shalt  }
0x44: {  	_ =	shalt  }
0x45: {  	_ =	shalt  }
0x46: {  	_ =	shalt  }
0x47: {  	_ =	shalt  }
0x48: {  	_ =	shalt  }
0x49: {  	_ =	shalt  }
0x4a: {  	_ =	shalt  }
0x4b: {  	_ =	shalt  }
0x4c: {  	_ =	shalt  }
0x4d: {  	_ =	shalt  }
0x4e: {  	_ =	shalt  }
0x4f: {  	_ =	shalt  }
0x50: {  	_ =	shalt  }
0x51: {  	_ =	shalt  }
0x52: {  	_ =	shalt  }
0x53: {  	_ =	shalt  }
0x54: {  	_ =	shalt  }
0x55: {  	_ =	shalt  }
0x56: {  	_ =	shalt  }
0x57: {  	_ =	shalt  }
0x58: {  	_ =	shalt  }
0x59: {  	_ =	shalt  }
0x5a: {  	_ =	shalt  }
0x5b: {  	_ =	shalt  }
0x5c: {  	_ =	shalt  }
0x5d: {  	_ =	shalt  }
0x5e: {  	_ =	shalt  }
0x5f: {  	_ =	shalt  }
0x60: {  	_ =	shalt  }
0x61: {  	_ =	shalt  }
0x62: {  	_ =	shalt  }
0x63: {  	_ =	shalt  }
0x64: {  	_ =	shalt  }
0x65: {  	_ =	shalt  }
0x66: {  	_ =	shalt  }
0x67: {  	_ =	shalt  }
0x68: {  	_ =	shalt  }
0x69: {  	_ =	shalt  }
0x6a: {  	_ =	shalt  }
0x6b: {  	_ =	shalt  }
0x6c: {  	_ =	shalt  }
0x6d: {  	_ =	shalt  }
0x6e: {  	_ =	shalt  }
0x6f: {  	_ =	shalt  }
0x70: {  	_ =	shalt  }
0x71: {  	_ =	shalt  }
0x72: {  	_ =	shalt  }
0x73: {  	_ =	shalt  }
0x74: {  	_ =	shalt  }
0x75: {  	_ =	shalt  }
0x76: {  	_ =	shalt  }
0x77: {  	_ =	shalt  }
0x78: {  	_ =	shalt  }
0x79: {  	_ =	shalt  }
0x7a: {  	_ =	shalt  }
0x7b: {  	_ =	shalt  }
0x7c: {  	_ =	shalt  }
0x7d: {  	_ =	shalt  }
0x7e: {  	_ =	shalt  }
0x7f: {  	_ =	shalt  }
0x80: {  	_ =	shalt  }
0x81: {  	_ =	shalt  }
0x82: {  	_ =	shalt  }
0x83: {  	_ =	shalt  }
0x84: {  	_ =	shalt  }
0x85: {  	_ =	shalt  }
0x86: {  	_ =	shalt  }
0x87: {  	_ =	shalt  }
.Lfunc_end0:
.L_simem_size_0:
called_computation_lowered:
.L_overlay_start_0:
0x88: {  	s2 =	sld [smem:$0x3FD9]  }
0x89: {  	s3 =	sld [smem:$0x3FFE];
	_ =	sdelay $0x1  }
0x8a: {  	s1 =	srdreg.scid  }
0x8b: {  	s0 =	sand.u32 $0x1, s1  }
0x8c: {  	s17 =	sshll.u32 s0, $0xA;
	s2 =	sadd.s32 s3, s2  }
0x8d: {  	s2 =	sadd.s32 s2, s17  }
0x8e: {  	[smem:$0x3FC5] =	sst s2  }
0x8f: {  	_ = 	snop  }
0x90: {  	s2 =	sld [smem:$0x3FC9]  }
0x91: {  	s18 =	sld [smem:$0x3FC7]  }
0x92: {  	s4 =	sld [smem:$0x3FD0];
	(tm) =	ssettm $0x1  }
0x93: {  	s5 =	sld [smem:$0x3FFB];
	_ =	sdelay $0x3  }
0x94: {  	_ =	strace s5  }
0x95: {  	s5 =	sld [smem:$0x3FFC];
	_ =	sdelay $0x3  }
0x96: {  	_ =	strace s5  }
0x97: {  	s5 =	sld [smem:$0x3FFD];
	_ =	sdelay $0x3  }
0x98: {  	_ =	strace s5  }
0x99: {  	_ =	strace $0x8FFFFFFF  }
0x9a: {  	s19 =	sld [smem:$0x3FDB];
	_ =	sdelay $0x1  }
0x9b: {  	s6 =	simm.s32 $_scs_section_size  }
0x9c: {  	s7 =	simm.s32 $_size__tile_overlayer_lowered;
	s8 =	simm.s32 $_tile_overlayer_lowered  }
0x9d: {  	s22 =	simm.s32 $0x1BFF;
	s21 =	sshll.u32 s8, $0x1;
	s5 =	sadd.s32 s6, s19  }
0x9e: {  	s9 =	simm.s32 $0x0;
	s20 =	sshll.u32 s7, $0x1;
	s7 =	sadd.s32 s21, s5  }
0x9f: {  	[timem:s9], [sflag:s22] =	dma.local [hbm:s7], s20  }
0xa0: {  	_ =	swait.ge [sflag:s22], s20  }
0xa1: {  	s6 =	ssub.s32 $0x0, s20;
	[sflag:s22] =	ssyncset.done $0x0  }
0xa2: {  	[sflag:s22] =	ssyncadd.s32 s6;
	_ =	sdelay $0x1  }
0xa3: {  	s23 =	simm.s32 $0x1B8B  }
0xa4: {  	_ =	swait.ge [sflag:s23], $0x1  }
0xa5: {  	[sflag:s23] =	ssyncset.done $0x0  }
0xa6: {  	s25 =	simm.s32 $0x1B8E;
	s24 =	sld [smem:$0x3FFE];
	[sflag:s23] =	ssyncadd.s32 $0xFFFFFFFF  }
0xa7: {  	s26 =	simm.s32 $execute0_lowered;
	[smem:$0x3FD2] =	sst s25  }
0xa8: {  	s7 =	sshll.u32 s26, $0x1;
	_ =	strace $0x80000046;
	[dreg:$0x1] =	wrdreg $0xFFFFFFFF  }
0xa9: {  	s28 =	simm.s32 $_size_execute0_lowered;
	s5 =	sadd.s32 s5, s7;
	[dreg:$0x0] =	wrdreg $0x0  }
0xaa: {  	s7 =	sshll.u32 s28, $0x1;
	[dreg:$0x2] =	wrdreg s5  }
0xab: {  	[dreg:$0x3] =	wrdreg s7  }
0xac: {  	[dreg:$0x4] =	wrdreg $0xC0  }
0xad: {  	_ =	task [dreg:s9], $0x5FFFF  }
0xae: {  	[dreg:$0x1] =	wrdreg $0xFFFFFFFF  }
0xaf: {  	[dreg:$0x0] =	wrdreg $0x60  }
0xb0: {  	[dreg:$0x2] =	wrdreg s2  }
0xb1: {  	[dreg:$0x3] =	wrdreg s24  }
0xb2: {  	[dreg:$0x4] =	wrdreg s18  }
0xb3: {  	[dreg:$0x5] =	wrdreg s4  }
0xb4: {  	[dreg:$0x6] =	wrdreg $0x9  }
0xb5: {  	_ =	task.clear_ibuf [dreg:s9], $0x7FFFF;
	_ =	strace $0x90000046  }
0xb6: {  	s29 =	simm.s32 $0x9;
	_ =	strace $0x80000048  }
0xb7: {  	_ =	swait.ge [sflag:s29], $0x1  }
0xb8: {  	[sflag:s29] =	ssyncadd.s32 $0xFFFFFFFF  }
0xb9: {  	_ =	strace $0x90000048  }
0xba: {  	_ =	sfence  }
0xbb: {  	s30 =	sld [smem:$0x0];
	_ =	sdelay $0x2  }
0xbc: {  	s31 =	sshll.u32 s1, $0xD;
	s1 =	sshrl.u32 s1, $0x2  }
0xbd: {  	s3 =	sand.u32 $0x4000, s31;
	s1 =	sadd.s32 s1, s30  }
0xbe: {  	s0 =	sor.u32 s3, s0;
	s1 =	sshll.u32 s1, $0x11  }
0xbf: {  	s0 =	sor.u32 s1, s0  }
0xc0: {  	s0 =	sadd.s32 $0x8F2B, s0  }
0xc1: {  	[sflag:s0] =	ssyncadd.remote.s32 $0x1  }
0xc2: {  	_ =	sfence.sel $0xFFFF  }
0xc3: {  	[dreg:$0x0] =	wrdreg $0xFFFFFFFF;
	(pc) =	sbr.abs _section_cstart, $3  }
0xc4: {  	[dreg:$0x1] =	wrdreg $0xFFFFFFFF  }
0xc5: {  	_ =	task.clear_ibuf [dreg:s9], $0x2FFFF;
	_ =	strace $0x9FFFFFFF  }
0xc6: {  	(tm) =	ssettm $0x7FFFFFFF  }
0xc7: {  	_ =	shalt  }
tec
execute0_lowered:
.L_overlay_start_1:
0x0: {  	(tag) =	ssettag $0x1  }
0x1: {  	s1 =	rddreg [dreg:$0x0]  }
0x2: {  	s0 =	rddreg [dreg:$0x1];
	s2 =	srdreg.scid  }
0x3: {  	s3 =	stileid.u32;
	s4 =	rddreg [dreg:$0x3]  }
0x4: {  	s5 =	simm.s32 $0x0;
	s17 =	simm.s32 $0x1980;
	s19 =	simm.s32 $0x1  }
0x5: {  	v0 =	vlaneseq.u32;
	s21 =	simm.s32 $0x2;
	s22 =	simm.s32 $0x14E00;
	s23 =	simm.s32 $0x3  }
0x6: {  	s24 =	simm.s32 $0x18E00;
	s2 =	sand.u32 $0x1, s2;
	s3 =	sshll.u32 s3, $0x1;
	v0 =	vmul.u32 $0x11, v0  }
0x7: {  	s30 =	simm.s32 $0x0;
	[smem:$0x7FF] =	sst s5;
	s3 =	sor.u32 s2, s3  }
0x8: {  	s0 =	sadd.s32 $0x400, s0;
	s29 =	ssub.s32 $0x2, s2;
	s6 =	smul.u32 $0x18000, s3;
	v1 =	vadd.s32 $0x1, v0  }
0x9: {  	_ =	strace $0x80000047;
	[dreg:$0x5] =	wrdreg s0;
	s2 =	sshrl.u32 s29, $0x1;
	v2 =	vadd.s32 $0x2, v0;
	v3 =	vadd.s32 $0x3, v0;
	v4 =	vadd.s32 $0x4, v0  }
0xa: {  	s8 =	smul.u32 $0xC0000, s3;
	v5 =	vadd.s32 $0x5, v0;
	v6 =	vadd.s32 $0x6, v0;
	v7 =	vadd.s32 $0x7, v0;
	s0 =	ssub.s32 s29, s2;
	s6 =	sadd.s32 s1, s6  }
0xb: {  	s9 =	smul.u32 $0x300, s3;
	v8 =	vadd.s32 $0x8, v0;
	v9 =	vadd.s32 $0x9, v0;
	v10 =	vadd.s32 $0xA, v0;
	s0 =	smax.u32 s0, $0x1;
	[dreg:$0x6] =	wrdreg s6  }
0xc: {  	v11 =	vadd.s32 $0xB, v0;
	v12 =	vadd.s32 $0xC, v0;
	v13 =	vadd.s32 $0xD, v0;
	s3 =	simm.s32 $0x0;
	s31 =	sadd.s32 $0x800, s6;
	[dreg:$0x8] =	wrdreg s0  }
0xd: {  	v14 =	vadd.s32 $0xE, v0;
	v15 =	vadd.s32 $0xF, v0;
	v16 =	vadd.s32 $0x10, v0;
	s11 =	sor.u32 $0xC000, s8;
	s12 =	sor.u32 $0x10000, s8;
	[dreg:$0x7] =	wrdreg s31  }
.LBB2_1:
0xe: {  	[dreg:$0x9] =	wrdreg s3  }
0xf: {  	s0 =	rddreg [dreg:$0x6];
	s2 =	simm.s32 $0x4E00  }
0x10: {  	[tilespmem:s2], [sflag:$0x1] =	stream.linear.gather [hbm4b:s0+s5], $0x4000, $0x38;
	[tilespmem:$0x1CE00] =	vst v63  }
0x11: {  	s25 =	rddreg [dreg:$0x7];
	s26 =	simm.s32 $0x8E00  }
0x12: {  	[tilespmem:s26], [sflag:$0x2] =	stream.linear.gather [hbm4b:s25+s5], $0x4000, $0x38;
	[tilespmem:$0x1CE00] =	vst v63  }
0x13: {  	s28 =	rddreg [dreg:$0x5];
	s6 =	simm.s32 $0x7;
	s0 =	simm.s32 $0x3300  }
0x14: {  	[tilespmem:s0], [sflag:$0x7] =	stream.linear.gather [hbm4b:s28+s5], $0x1980, $0x38;
	[tilespmem:$0x1CE00] =	vst v63  }
0x15: {  	_ =	swait.ge [sflag:s6], $0x1980  }
0x16: {  	[sflag:s6] =	ssyncset.done $0x0  }
0x17: {  	[sflag:s6] =	ssyncadd.s32 $0xFFFFE680  }
0x18: {  	s2 =	simm.s32 $0x4C80;
	s29 =	rddreg [dreg:$0x2]  }
0x19: {  	[tilespmem:s2], [sflag:$0x7] =	stream.linear.gather [hbm4b:s29+s5], $0x180, $0x38;
	[tilespmem:$0x1CE00] =	vst v63  }
0x1a: {  	_ =	swait.ge [sflag:s6], $0x180  }
0x1b: {  	[sflag:s6] =	ssyncset.done $0x0  }
0x1c: {  	[sflag:s6] =	ssyncadd.s32 $0xFFFFFE80  }
0x1d: {  	v17 =	vld [tilespmem:s2+$0x0]  }
0x1e: {  	v18 =	vld [tilespmem:s0+$0x0]  }
0x1f: {  	v19 =	vadd.s32 s5, v0;
	_ =	sdelay $0x3  }
0x20: {  	v20 =	vadd.f32 v18, v17  }
0x21: {  	[tilespmem:v19+s5+$0x0] =	vst.idx.msk $0xffff, v18  }
0x22: {  	s31 =	sand.u32 $0x1F0, s5;
	[tilespmem:v19+s17+$0x0] =	vst.idx.msk $0xffff, v20  }
0x23: {  	v18 =	vld [tilespmem:s31+$0x3480]  }
0x24: {  	v19 =	vadd.s32 s5, v1;
	_ =	sdelay $0x3  }
0x25: {  	v20 =	vadd.f32 v18, v17  }
0x26: {  	[tilespmem:v19+s5+$0x0] =	vst.idx.msk $0xffff, v18  }
0x27: {  	[tilespmem:v19+s17+$0x0] =	vst.idx.msk $0xffff, v20  }
0x28: {  	v19 =	vld [tilespmem:s31+$0x3600];
	_ =	sdelay $0x2  }
0x29: {  	v18 =	vmul.f32 $1.333333400e-01, v18;
	v20 =	vadd.s32 s5, v2;
	_ =	sdelay $0x1  }
0x2a: {  	v17 =	vadd.f32 v18, v17;
	v18 =	vmul.f32 $8.666666740e-01, v19;
	_ =	sdelay $0x1  }
0x2b: {  	v18 =	vadd.f32 v18, v17  }
0x2c: {  	[tilespmem:v20+s5+$0x0] =	vst.idx.msk $0xffff, v19  }
0x2d: {  	[tilespmem:v20+s17+$0x0] =	vst.idx.msk $0xffff, v18  }
0x2e: {  	v18 =	vld [tilespmem:s31+$0x3780];
	_ =	sdelay $0x2  }
0x2f: {  	v19 =	vmul.f32 $1.333333400e-01, v19;
	v20 =	vadd.s32 s5, v3;
	_ =	sdelay $0x1  }
0x30: {  	v17 =	vadd.f32 v19, v17;
	v19 =	vmul.f32 $7.333333490e-01, v18;
	_ =	sdelay $0x1  }
0x31: {  	v19 =	vadd.f32 v19, v17  }
0x32: {  	[tilespmem:v20+s5+$0x0] =	vst.idx.msk $0xffff, v18  }
0x33: {  	[tilespmem:v20+s17+$0x0] =	vst.idx.msk $0xffff, v19  }
0x34: {  	v19 =	vld [tilespmem:s31+$0x3900];
	_ =	sdelay $0x2  }
0x35: {  	v18 =	vmul.f32 $1.333333400e-01, v18;
	v20 =	vadd.s32 s5, v4;
	_ =	sdelay $0x1  }
0x36: {  	v17 =	vadd.f32 v18, v17;
	v18 =	vmul.f32 $6.000000240e-01, v19;
	_ =	sdelay $0x1  }
0x37: {  	v18 =	vadd.f32 v18, v17  }
0x38: {  	[tilespmem:v20+s5+$0x0] =	vst.idx.msk $0xffff, v19  }
0x39: {  	[tilespmem:v20+s17+$0x0] =	vst.idx.msk $0xffff, v18  }
0x3a: {  	v18 =	vld [tilespmem:s31+$0x3A80];
	_ =	sdelay $0x2  }
0x3b: {  	v19 =	vmul.f32 $1.333333400e-01, v19;
	v20 =	vadd.s32 s5, v5;
	_ =	sdelay $0x1  }
0x3c: {  	v17 =	vadd.f32 v19, v17;
	v19 =	vmul.f32 $4.666666690e-01, v18;
	_ =	sdelay $0x1  }
0x3d: {  	v19 =	vadd.f32 v19, v17  }
0x3e: {  	[tilespmem:v20+s5+$0x0] =	vst.idx.msk $0xffff, v18  }
0x3f: {  	[tilespmem:v20+s17+$0x0] =	vst.idx.msk $0xffff, v19  }
0x40: {  	v19 =	vld [tilespmem:s31+$0x3C00];
	_ =	sdelay $0x2  }
0x41: {  	v18 =	vmul.f32 $1.333333400e-01, v18;
	v20 =	vadd.s32 s5, v6;
	_ =	sdelay $0x1  }
0x42: {  	v17 =	vadd.f32 v18, v17;
	v18 =	vmul.f32 $3.333333430e-01, v19;
	_ =	sdelay $0x1  }
0x43: {  	v18 =	vadd.f32 v18, v17  }
0x44: {  	[tilespmem:v20+s5+$0x0] =	vst.idx.msk $0xffff, v19  }
0x45: {  	[tilespmem:v20+s17+$0x0] =	vst.idx.msk $0xffff, v18  }
0x46: {  	v18 =	vld [tilespmem:s31+$0x3D80];
	_ =	sdelay $0x2  }
0x47: {  	v19 =	vmul.f32 $1.333333400e-01, v19;
	v20 =	vadd.s32 s5, v7;
	_ =	sdelay $0x1  }
0x48: {  	v17 =	vadd.f32 v19, v17;
	v19 =	vmul.f32 $2.000000030e-01, v18;
	_ =	sdelay $0x1  }
0x49: {  	v19 =	vadd.f32 v19, v17  }
0x4a: {  	[tilespmem:v20+s5+$0x0] =	vst.idx.msk $0xffff, v18  }
0x4b: {  	[tilespmem:v20+s17+$0x0] =	vst.idx.msk $0xffff, v19  }
0x4c: {  	v19 =	vld [tilespmem:s31+$0x3F00];
	_ =	sdelay $0x2  }
0x4d: {  	v18 =	vmul.f32 $1.333333400e-01, v18;
	v20 =	vadd.s32 s5, v8;
	_ =	sdelay $0x1  }
0x4e: {  	v17 =	vadd.f32 v18, v17;
	v18 =	vmul.f32 $6.666667010e-02, v19;
	_ =	sdelay $0x1  }
0x4f: {  	v18 =	vadd.f32 v18, v17  }
0x50: {  	[tilespmem:v20+s5+$0x0] =	vst.idx.msk $0xffff, v19  }
0x51: {  	[tilespmem:v20+s17+$0x0] =	vst.idx.msk $0xffff, v18  }
0x52: {  	v18 =	vld [tilespmem:s31+$0x4080];
	_ =	sdelay $0x2  }
0x53: {  	v19 =	vmul.f32 $1.333333400e-01, v19;
	v20 =	vadd.s32 s5, v9;
	_ =	sdelay $0x1  }
0x54: {  	v17 =	vadd.f32 v19, v17;
	v19 =	vmul.f32 $6.666667010e-02, v18;
	_ =	sdelay $0x1  }
0x55: {  	v19 =	vsub.f32 v17, v19  }
0x56: {  	[tilespmem:v20+s5+$0x0] =	vst.idx.msk $0xffff, v18  }
0x57: {  	[tilespmem:v20+s17+$0x0] =	vst.idx.msk $0xffff, v19  }
0x58: {  	v19 =	vld [tilespmem:s31+$0x4200];
	_ =	sdelay $0x2  }
0x59: {  	v18 =	vmul.f32 $1.333333400e-01, v18;
	v20 =	vadd.s32 s5, v10;
	_ =	sdelay $0x1  }
0x5a: {  	v17 =	vadd.f32 v18, v17;
	v18 =	vmul.f32 $2.000000030e-01, v19;
	_ =	sdelay $0x1  }
0x5b: {  	v18 =	vsub.f32 v17, v18  }
0x5c: {  	[tilespmem:v20+s5+$0x0] =	vst.idx.msk $0xffff, v19  }
0x5d: {  	[tilespmem:v20+s17+$0x0] =	vst.idx.msk $0xffff, v18  }
0x5e: {  	v18 =	vld [tilespmem:s31+$0x4380];
	_ =	sdelay $0x2  }
0x5f: {  	v19 =	vmul.f32 $1.333333400e-01, v19;
	v20 =	vadd.s32 s5, v11;
	_ =	sdelay $0x1  }
0x60: {  	v17 =	vadd.f32 v19, v17;
	v19 =	vmul.f32 $3.333333430e-01, v18;
	_ =	sdelay $0x1  }
0x61: {  	v19 =	vsub.f32 v17, v19  }
0x62: {  	[tilespmem:v20+s5+$0x0] =	vst.idx.msk $0xffff, v18  }
0x63: {  	[tilespmem:v20+s17+$0x0] =	vst.idx.msk $0xffff, v19  }
0x64: {  	v19 =	vld [tilespmem:s31+$0x4500];
	_ =	sdelay $0x2  }
0x65: {  	v18 =	vmul.f32 $1.333333400e-01, v18;
	v20 =	vadd.s32 s5, v12;
	_ =	sdelay $0x1  }
0x66: {  	v17 =	vadd.f32 v18, v17;
	v18 =	vmul.f32 $4.666666690e-01, v19;
	_ =	sdelay $0x1  }
0x67: {  	v18 =	vsub.f32 v17, v18  }
0x68: {  	[tilespmem:v20+s5+$0x0] =	vst.idx.msk $0xffff, v19  }
0x69: {  	[tilespmem:v20+s17+$0x0] =	vst.idx.msk $0xffff, v18  }
0x6a: {  	v18 =	vld [tilespmem:s31+$0x4680];
	_ =	sdelay $0x2  }
0x6b: {  	v19 =	vmul.f32 $1.333333400e-01, v19;
	v20 =	vadd.s32 s5, v13;
	_ =	sdelay $0x1  }
0x6c: {  	v17 =	vadd.f32 v19, v17;
	v19 =	vmul.f32 $6.000000240e-01, v18;
	_ =	sdelay $0x1  }
0x6d: {  	v19 =	vsub.f32 v17, v19  }
0x6e: {  	[tilespmem:v20+s5+$0x0] =	vst.idx.msk $0xffff, v18  }
0x6f: {  	[tilespmem:v20+s17+$0x0] =	vst.idx.msk $0xffff, v19  }
0x70: {  	v19 =	vld [tilespmem:s31+$0x4800];
	_ =	sdelay $0x2  }
0x71: {  	v18 =	vmul.f32 $1.333333400e-01, v18;
	v20 =	vadd.s32 s5, v14;
	_ =	sdelay $0x1  }
0x72: {  	v17 =	vadd.f32 v18, v17;
	v18 =	vmul.f32 $7.333333490e-01, v19;
	_ =	sdelay $0x1  }
0x73: {  	v18 =	vsub.f32 v17, v18  }
0x74: {  	[tilespmem:v20+s5+$0x0] =	vst.idx.msk $0xffff, v19  }
0x75: {  	[tilespmem:v20+s17+$0x0] =	vst.idx.msk $0xffff, v18  }
0x76: {  	v18 =	vld [tilespmem:s31+$0x4980];
	_ =	sdelay $0x2  }
0x77: {  	v19 =	vmul.f32 $1.333333400e-01, v19;
	v20 =	vadd.s32 s5, v15;
	_ =	sdelay $0x1  }
0x78: {  	v19 =	vadd.f32 v19, v17;
	v17 =	vmul.f32 $8.666666740e-01, v18;
	_ =	sdelay $0x1  }
0x79: {  	v17 =	vsub.f32 v19, v17  }
0x7a: {  	[tilespmem:v20+s5+$0x0] =	vst.idx.msk $0xffff, v18  }
0x7b: {  	[tilespmem:v20+s17+$0x0] =	vst.idx.msk $0xffff, v17  }
0x7c: {  	v17 =	vadd.s32 s5, v16;
	v20 =	vld [tilespmem:s31+$0x4B00]  }
0x7d: {  	v18 =	vmul.f32 $1.333333400e-01, v18;
	_ =	sdelay $0x1  }
0x7e: {  	v18 =	vadd.f32 v18, v19;
	_ =	sdelay $0x1  }
0x7f: {  	s3 =	simm.s32 $0x10;
	s6 =	simm.s32 $0x0;
	[tilespmem:v17+s5+$0x0] =	vst.idx.msk $0xffff, v20;
	v18 =	vsub.f32 v18, v20  }
.LBB2_2:
0x80: {  	_ = 	snop  }
0x81: {  	s6 =	sadd.s32 $0x110, s6;
	s2 =	sadd.s32 $0x10, s2;
	s0 =	sadd.s32 $0x10, s0;
	[tilespmem:v17+s17+$0x0] =	vst.idx.msk $0xffff, v18  }
0x82: {  	p0 =	sne.s32 s3, $0x170;
	s7 =	smov.u32 s3;
	s3 =	sadd.s32 $0x10, s3;
	v17 =	vld [tilespmem:s2+$0x0]  }
0x83: {  	v18 =	vld [tilespmem:s0+$0x0]  }
0x84: {  	v19 =	vadd.s32 s6, v0;
	_ =	sdelay $0x3  }
0x85: {  	v20 =	vadd.f32 v18, v17  }
0x86: {  	[tilespmem:v19+s30+$0x0] =	vst.idx.msk $0xffff, v18  }
0x87: {  	s10 =	sand.u32 $0x1F0, s7;
	[tilespmem:v19+s17+$0x0] =	vst.idx.msk $0xffff, v20  }
0x88: {  	v18 =	vld [tilespmem:s10+$0x3480]  }
0x89: {  	v19 =	vadd.s32 s6, v1;
	_ =	sdelay $0x3  }
0x8a: {  	v20 =	vadd.f32 v18, v17;
	v21 =	vmul.f32 $1.333333400e-01, v18  }
0x8b: {  	[tilespmem:v19+s30+$0x0] =	vst.idx.msk $0xffff, v18  }
0x8c: {  	[tilespmem:v19+s17+$0x0] =	vst.idx.msk $0xffff, v20;
	v17 =	vadd.f32 v21, v17  }
0x8d: {  	v18 =	vld [tilespmem:s10+$0x3600];
	_ =	sdelay $0x2  }
0x8e: {  	v19 =	vadd.s32 s6, v2;
	_ =	sdelay $0x1  }
0x8f: {  	v20 =	vmul.f32 $8.666666740e-01, v18;
	v21 =	vmul.f32 $1.333333400e-01, v18;
	_ =	sdelay $0x1  }
0x90: {  	v20 =	vadd.f32 v20, v17;
	v17 =	vadd.f32 v21, v17  }
0x91: {  	[tilespmem:v19+s30+$0x0] =	vst.idx.msk $0xffff, v18  }
0x92: {  	[tilespmem:v19+s17+$0x0] =	vst.idx.msk $0xffff, v20  }
0x93: {  	v18 =	vld [tilespmem:s10+$0x3780];
	_ =	sdelay $0x2  }
0x94: {  	v19 =	vadd.s32 s6, v3;
	_ =	sdelay $0x1  }
0x95: {  	v20 =	vmul.f32 $7.333333490e-01, v18;
	v21 =	vmul.f32 $1.333333400e-01, v18;
	_ =	sdelay $0x1  }
0x96: {  	v20 =	vadd.f32 v20, v17;
	v17 =	vadd.f32 v21, v17  }
0x97: {  	[tilespmem:v19+s30+$0x0] =	vst.idx.msk $0xffff, v18  }
0x98: {  	[tilespmem:v19+s17+$0x0] =	vst.idx.msk $0xffff, v20  }
0x99: {  	v18 =	vld [tilespmem:s10+$0x3900];
	_ =	sdelay $0x2  }
0x9a: {  	v19 =	vadd.s32 s6, v4;
	_ =	sdelay $0x1  }
0x9b: {  	v20 =	vmul.f32 $6.000000240e-01, v18;
	v21 =	vmul.f32 $1.333333400e-01, v18;
	_ =	sdelay $0x1  }
0x9c: {  	v20 =	vadd.f32 v20, v17;
	v17 =	vadd.f32 v21, v17  }
0x9d: {  	[tilespmem:v19+s30+$0x0] =	vst.idx.msk $0xffff, v18  }
0x9e: {  	[tilespmem:v19+s17+$0x0] =	vst.idx.msk $0xffff, v20  }
0x9f: {  	v18 =	vld [tilespmem:s10+$0x3A80];
	_ =	sdelay $0x2  }
0xa0: {  	v19 =	vadd.s32 s6, v5;
	_ =	sdelay $0x1  }
0xa1: {  	v20 =	vmul.f32 $4.666666690e-01, v18;
	v21 =	vmul.f32 $1.333333400e-01, v18;
	_ =	sdelay $0x1  }
0xa2: {  	v20 =	vadd.f32 v20, v17;
	v17 =	vadd.f32 v21, v17  }
0xa3: {  	[tilespmem:v19+s30+$0x0] =	vst.idx.msk $0xffff, v18  }
0xa4: {  	[tilespmem:v19+s17+$0x0] =	vst.idx.msk $0xffff, v20  }
0xa5: {  	v18 =	vld [tilespmem:s10+$0x3C00];
	_ =	sdelay $0x2  }
0xa6: {  	v19 =	vadd.s32 s6, v6;
	_ =	sdelay $0x1  }
0xa7: {  	v20 =	vmul.f32 $3.333333430e-01, v18;
	v21 =	vmul.f32 $1.333333400e-01, v18;
	_ =	sdelay $0x1  }
0xa8: {  	v20 =	vadd.f32 v20, v17;
	v17 =	vadd.f32 v21, v17  }
0xa9: {  	[tilespmem:v19+s30+$0x0] =	vst.idx.msk $0xffff, v18  }
0xaa: {  	[tilespmem:v19+s17+$0x0] =	vst.idx.msk $0xffff, v20  }
0xab: {  	v19 =	vadd.s32 s6, v7;
	v18 =	vld [tilespmem:s10+$0x3D80];
	_ =	sdelay $0x4  }
0xac: {  	[tilespmem:v19+s30+$0x0] =	vst.idx.msk $0xffff, v18;
	v20 =	vmul.f32 $2.000000030e-01, v18;
	v18 =	vmul.f32 $1.333333400e-01, v18;
	_ =	sdelay $0x1  }
0xad: {  	v20 =	vadd.f32 v20, v17;
	v17 =	vadd.f32 v18, v17;
	_ =	sdelay $0x1  }
0xae: {  	[tilespmem:v19+s17+$0x0] =	vst.idx.msk $0xffff, v20  }
0xaf: {  	v19 =	vadd.s32 s6, v8;
	v18 =	vld [tilespmem:s10+$0x3F00];
	_ =	sdelay $0x4  }
0xb0: {  	[tilespmem:v19+s30+$0x0] =	vst.idx.msk $0xffff, v18;
	v20 =	vmul.f32 $6.666667010e-02, v18;
	v18 =	vmul.f32 $1.333333400e-01, v18;
	_ =	sdelay $0x1  }
0xb1: {  	v20 =	vadd.f32 v20, v17;
	v17 =	vadd.f32 v18, v17;
	_ =	sdelay $0x1  }
0xb2: {  	[tilespmem:v19+s17+$0x0] =	vst.idx.msk $0xffff, v20  }
0xb3: {  	v19 =	vadd.s32 s6, v9;
	v18 =	vld [tilespmem:s10+$0x4080];
	_ =	sdelay $0x4  }
0xb4: {  	[tilespmem:v19+s30+$0x0] =	vst.idx.msk $0xffff, v18;
	v20 =	vmul.f32 $6.666667010e-02, v18;
	v18 =	vmul.f32 $1.333333400e-01, v18;
	_ =	sdelay $0x1  }
0xb5: {  	v20 =	vsub.f32 v17, v20;
	v17 =	vadd.f32 v18, v17;
	_ =	sdelay $0x1  }
0xb6: {  	[tilespmem:v19+s17+$0x0] =	vst.idx.msk $0xffff, v20  }
0xb7: {  	v19 =	vadd.s32 s6, v10;
	v18 =	vld [tilespmem:s10+$0x4200];
	_ =	sdelay $0x4  }
0xb8: {  	[tilespmem:v19+s30+$0x0] =	vst.idx.msk $0xffff, v18;
	v20 =	vmul.f32 $2.000000030e-01, v18;
	v18 =	vmul.f32 $1.333333400e-01, v18;
	_ =	sdelay $0x1  }
0xb9: {  	v20 =	vsub.f32 v17, v20;
	v17 =	vadd.f32 v18, v17;
	_ =	sdelay $0x1  }
0xba: {  	[tilespmem:v19+s17+$0x0] =	vst.idx.msk $0xffff, v20  }
0xbb: {  	v19 =	vadd.s32 s6, v11;
	v18 =	vld [tilespmem:s10+$0x4380];
	_ =	sdelay $0x4  }
0xbc: {  	[tilespmem:v19+s30+$0x0] =	vst.idx.msk $0xffff, v18;
	v20 =	vmul.f32 $3.333333430e-01, v18;
	v18 =	vmul.f32 $1.333333400e-01, v18;
	_ =	sdelay $0x1  }
0xbd: {  	v20 =	vsub.f32 v17, v20;
	v17 =	vadd.f32 v18, v17;
	_ =	sdelay $0x1  }
0xbe: {  	[tilespmem:v19+s17+$0x0] =	vst.idx.msk $0xffff, v20  }
0xbf: {  	v19 =	vadd.s32 s6, v12;
	v18 =	vld [tilespmem:s10+$0x4500];
	_ =	sdelay $0x4  }
0xc0: {  	[tilespmem:v19+s30+$0x0] =	vst.idx.msk $0xffff, v18;
	v20 =	vmul.f32 $4.666666690e-01, v18;
	v18 =	vmul.f32 $1.333333400e-01, v18;
	_ =	sdelay $0x1  }
0xc1: {  	v20 =	vsub.f32 v17, v20;
	v17 =	vadd.f32 v18, v17;
	_ =	sdelay $0x1  }
0xc2: {  	[tilespmem:v19+s17+$0x0] =	vst.idx.msk $0xffff, v20  }
0xc3: {  	v19 =	vadd.s32 s6, v13;
	v18 =	vld [tilespmem:s10+$0x4680];
	_ =	sdelay $0x4  }
0xc4: {  	[tilespmem:v19+s30+$0x0] =	vst.idx.msk $0xffff, v18;
	v20 =	vmul.f32 $6.000000240e-01, v18;
	v18 =	vmul.f32 $1.333333400e-01, v18;
	_ =	sdelay $0x1  }
0xc5: {  	v20 =	vsub.f32 v17, v20;
	v17 =	vadd.f32 v18, v17;
	_ =	sdelay $0x1  }
0xc6: {  	[tilespmem:v19+s17+$0x0] =	vst.idx.msk $0xffff, v20  }
0xc7: {  	v19 =	vadd.s32 s6, v14;
	v18 =	vld [tilespmem:s10+$0x4800];
	_ =	sdelay $0x4  }
0xc8: {  	[tilespmem:v19+s30+$0x0] =	vst.idx.msk $0xffff, v18;
	v20 =	vmul.f32 $7.333333490e-01, v18;
	v18 =	vmul.f32 $1.333333400e-01, v18;
	_ =	sdelay $0x1  }
0xc9: {  	v20 =	vsub.f32 v17, v20;
	_ =	sdelay $0x1  }
0xca: {  	[tilespmem:v19+s17+$0x0] =	vst.idx.msk $0xffff, v20  }
0xcb: {  	v20 =	vadd.s32 s6, v15;
	v19 =	vld [tilespmem:s10+$0x4980];
	_ =	sdelay $0x4  }
0xcc: {  	v18 =	vadd.f32 v18, v17;
	[tilespmem:v20+s30+$0x0] =	vst.idx.msk $0xffff, v19;
	v17 =	vmul.f32 $8.666666740e-01, v19;
	v19 =	vmul.f32 $1.333333400e-01, v19;
	_ =	sdelay $0x1  }
0xcd: {  	v17 =	vsub.f32 v18, v17;
	_ =	sdelay $0x1  }
0xce: {  	[tilespmem:v20+s17+$0x0] =	vst.idx.msk $0xffff, v17  }
0xcf: {  	v17 =	vadd.s32 s6, v16;
	v20 =	vld [tilespmem:s10+$0x4B00]  }
.Ltmp0:
0xd0: {  	(pc) =	sbr.rel @p0 .LBB2_2-.Ltmp0, $3  }
0xd1: {  	_ = 	snop  }
0xd2: {  	v18 =	vadd.f32 v19, v18;
	_ =	sdelay $0x1  }
0xd3: {  	[tilespmem:v17+s30+$0x0] =	vst.idx.msk $0xffff, v20;
	v18 =	vsub.f32 v18, v20  }
0xd4: {  	_ =	sdelay $0x3  }
0xd5: {  	s31 =	simm.s32 $0x0;
	[tilespmem:v17+s17+$0x0] =	vst.idx.msk $0xffff, v18  }
.LBB2_4:
0xd6: {  	s0 =	smul.u32 $0x3, s31;
	_ =	sdelay $0x1  }
0xd7: {  	s2 =	sadd.s32 $0x2, s0  }
0xd8: {  	s0 =	sshll.u32 s2, $0xE  }
0xd9: {  	s0 =	sadd.s32 s8, s0  }
0xda: {  	s0 =	sshrl.u32 s0, $0x3  }
0xdb: {  	s3 =	simm.s32 $0xCE00;
	s0 =	sadd.s32 s1, s0  }
0xdc: {  	[tilespmem:s3], [sflag:$0x3] =	stream.linear.gather [hbm4b:s0+s5], $0x4000, $0x38;
	[tilespmem:$0x1CE00] =	vst v63  }
0xdd: {  	_ =	swait.ge [sflag:s19], $0x4000  }
0xde: {  	p0 =	seq.s32 s31, $0x0;
	[sflag:s19] =	ssyncset.done $0x0  }
0xdf: {  	s20 =	sand.u32 $0x2000, s30;
	s0 =	simm.s32 @!p0 $0x4;
	[sflag:s19] =	ssyncadd.s32 $0xFFFFC000  }
0xe0: {  	s6 =	sand.u32 $0x1C00, s30;
	s7 =	simm.s32 $0x0;
	_ =	swait.ge @!p0 [sflag:s0], $0x4000  }
0xe1: {  	s25 =	sand.u32 $0x380, s7;
	s3 =	sor.u32 s6, s20;
	[sflag:s0] =	ssyncset.done @!p0 $0x0  }
0xe2: {  	[sflag:s0] =	ssyncadd.s32 @!p0 $0xFFFFC000;
	s0 =	sor.u32 s25, s3  }
0xe3: {  	v23 =	vld [tilespmem:s0+$0x4E40]  }
0xe4: {  	v24 =	vld [tilespmem:s0+$0x4E60]  }
0xe5: {  	v26 =	vld [tilespmem:s0+$0x4E50]  }
0xe6: {  	v27 =	vld [tilespmem:s0+$0x4E30]  }
0xe7: {  	v29 =	vld [tilespmem:s0+$0x4E70]  }
0xe8: {  	v33 =	vld [tilespmem:s0+$0x4E00]  }
0xe9: {  	v18 =	vld [tilespmem:s0+$0x4E20]  }
0xea: {  	v17 =	vmul.f32 $7.500000000e+00, v23  }
0xeb: {  	v19 =	vmul.f32 $7.500000000e+00, v26;
	v20 =	vmul.f32 $7.500000000e+00, v24  }
0xec: {  	v21 =	vmul.f32 $7.500000000e+00, v27;
	v25 =	vmul.f32 $7.500000000e+00, v29  }
0xed: {  	p1 =	slt.u32 s31, $0x8;
	s3 =	smul.u32 $0x30, s31;
	v31 =	vmul.f32 $7.500000000e+00, v33;
	v17 =	vadd.f32 $8.500000000e+00, v17;
	v19 =	vadd.f32 $8.500000000e+00, v19  }
0xee: {  	s14 =	simm.s32 $0x400;
	s10 =	simm.s32 $0x80;
	s13 =	simm.s32 $0x10;
	v20 =	vadd.f32 $8.500000000e+00, v20;
	v22 =	vadd.f32 $8.500000000e+00, v21;
	v21 =	vmul.f32 $7.500000000e+00, v18  }
0xef: {  	s10 =	sand.u32 $0x2000, s10;
	s6 =	sand.u32 $0x1C00, s14;
	s15 =	sadd.s32 $0xFFFFFE80, s3;
	v25 =	vadd.f32 $8.500000000e+00, v25;
	v17 =	vmax.f32 v17, $0.0e+00;
	v19 =	vmax.f32 v19, $0.0e+00  }
0xf0: {  	s16 =	sand.u32 $0x380, s13;
	s6 =	sor.u32 s6, s10;
	s15 =	smov.u32 @p1 s3;
	v20 =	vmax.f32 v20, $0.0e+00;
	v34 =	vadd.f32 $8.500000000e+00, v21;
	v17 =	vmin.f32 v17, $1.650000000e+01  }
0xf1: {  	s14 =	sor.u32 s16, s6;
	v28 =	vld [tilespmem:s0+$0x4E10];
	s26 =	sadd.s32 $0x0, s15;
	v32 =	vmax.f32 v22, $0.0e+00;
	v19 =	vmin.f32 v19, $1.650000000e+01;
	v17 =	vtrunc.f32 v17  }
0xf2: {  	v36 =	vld [tilespmem:s14+$0x4E40];
	s29 =	smul.u32 $0x11, s26;
	v22 =	vmax.f32 v25, $0.0e+00;
	v19 =	vtrunc.f32 v19;
	v17 =	vcvt.f32.s32 v17  }
0xf3: {  	v25 =	vadd.f32 $8.500000000e+00, v31;
	v20 =	vmin.f32 v20, $1.650000000e+01;
	v19 =	vcvt.f32.s32 v19  }
0xf4: {  	v31 =	vmin.f32 v22, $1.650000000e+01;
	v20 =	vtrunc.f32 v20;
	v30 =	vadd.s32 s29, v17  }
0xf5: {  	v22 =	vld [tilespmem:s14+$0x4E50];
	v38 =	vadd.s32 s29, v19;
	v19 =	vmax.f32 v25, $0.0e+00;
	v25 =	vcvt.f32.s32 v20  }
0xf6: {  	v21 =	vld [tilespmem:s14+$0x4E60];
	v32 =	vmin.f32 v32, $1.650000000e+01;
	v31 =	vtrunc.f32 v31;
	v17 =	vmul.f32 $7.500000000e+00, v28  }
0xf7: {  	v31 =	vcvt.f32.s32 v31;
	v20 =	vld [tilespmem:s14+$0x4E10];
	v39 =	vadd.s32 s29, v25;
	v25 =	vmul.f32 $7.500000000e+00, v36  }
0xf8: {  	v32 =	vtrunc.f32 v32;
	v40 =	vmin.f32 v19, $1.650000000e+01;
	v19 =	vld [tilespmem:s14+$0x4E20];
	v17 =	vadd.f32 $8.500000000e+00, v17  }
0xf9: {  	v34 =	vmax.f32 v34, $0.0e+00;
	v41 =	vadd.s32 s29, v31;
	v43 =	vadd.f32 $8.500000000e+00, v25;
	v25 =	vld [tilespmem:s14+$0x4E70]  }
0xfa: {  	v31 =	vcvt.f32.s32 v32;
	v60 =	vmul.f32 $7.500000000e+00, v22;
	v17 =	vmax.f32 v17, $0.0e+00;
	v35 =	vld.idx.msk [tilespmem:v30+s5+$0x0], $0xffff  }
0xfb: {  	v34 =	vmin.f32 v34, $1.650000000e+01;
	v37 =	vmin.f32 v17, $1.650000000e+01;
	v17 =	vld [tilespmem:s14+$0x4E30]  }
0xfc: {  	v34 =	vtrunc.f32 v34;
	v31 =	vadd.s32 s29, v31;
	v32 =	vadd.f32 $8.500000000e+00, v60;
	v30 =	vld.idx.msk [tilespmem:v30+s17+$0x0], $0xffff  }
0xfd: {  	v34 =	vcvt.f32.s32 v34;
	v40 =	vtrunc.f32 v40;
	v42 =	vld.idx.msk [tilespmem:v38+s17+$0x0], $0xffff  }
0xfe: {  	v40 =	vcvt.f32.s32 v40;
	v38 =	vld.idx.msk [tilespmem:v38+s5+$0x0], $0xffff;
	v32 =	vmax.f32 v32, $0.0e+00;
	v56 =	vmul.f32 $7.500000000e+00, v20  }
0xff: {  	v62 =	vld.idx.msk [tilespmem:v41+s5+$0x0], $0xffff;
	v37 =	vtrunc.f32 v37;
	v47 =	vmul.f32 $7.500000000e+00, v19;
	v32 =	vmin.f32 v32, $1.650000000e+01  }
0x100: {  	v40 =	vadd.s32 s29, v40;
	v37 =	vcvt.f32.s32 v37;
	v46 =	vld.idx.msk [tilespmem:v39+s5+$0x0], $0xffff;
	v49 =	vtrunc.f32 v32  }
0x101: {  	s20 =	simm.s32 $0x800;
	s25 =	simm.s32 $0x100;
	v43 =	vmax.f32 v43, $0.0e+00;
	v63 =	vld.idx.msk [tilespmem:v31+s5+$0x0], $0xffff;
	v49 =	vcvt.f32.s32 v49;
	v51 =	vmul.f32 $7.500000000e+00, v25  }
0x102: {  	s6 =	sand.u32 $0x1C00, s20;
	s16 =	simm.s32 $0x20;
	s13 =	sand.u32 $0x2000, s25;
	v32 =	vadd.f32 $8.500000000e+00, v47;
	v35 =	vmul.f32 v35, v23;
	v23 =	vmul.f32 $7.500000000e+00, v21  }
0x103: {  	s6 =	sor.u32 s6, s13;
	s26 =	sand.u32 $0x380, s16;
	v59 =	vld.idx.msk [tilespmem:v41+s17+$0x0], $0xffff;
	v37 =	vadd.s32 s29, v37;
	v44 =	vmul.f32 $7.500000000e+00, v17;
	v26 =	vmul.f32 v38, v26  }
0x104: {  	s6 =	sor.u32 s26, s6;
	v39 =	vld.idx.msk [tilespmem:v39+s17+$0x0], $0xffff;
	v57 =	vmul.f32 v62, v29;
	v45 =	vadd.f32 $8.500000000e+00, v23;
	v23 =	vmin.f32 v43, $1.650000000e+01  }
0x105: {  	v61 =	vadd.f32 $8.500000000e+00, v44;
	v54 =	vadd.f32 v30, v35;
	v46 =	vmul.f32 v46, v24;
	v24 =	vld [tilespmem:s6+$0x4E60]  }
0x106: {  	s18 =	sadd.s32 $0x0, s15;
	v30 =	vadd.f32 $8.500000000e+00, v51;
	v35 =	vmul.f32 v63, v27;
	v27 =	vld [tilespmem:s6+$0x4E50];
	v23 =	vtrunc.f32 v23  }
0x107: {  	s10 =	smul.u32 $0x11, s18;
	v38 =	vadd.f32 $8.500000000e+00, v56;
	v55 =	vadd.f32 v42, v26;
	v48 =	vcvt.f32.s32 v23;
	v23 =	vld [tilespmem:s14+$0x4E00]  }
0x108: {  	v45 =	vmax.f32 v45, $0.0e+00;
	v50 =	vld.idx.msk [tilespmem:v37+s5+$0x0], $0xffff;
	v43 =	vmax.f32 v61, $0.0e+00;
	v30 =	vmax.f32 v30, $0.0e+00  }
0x109: {  	v45 =	vmin.f32 v45, $1.650000000e+01;
	v30 =	vmin.f32 v30, $1.650000000e+01;
	v47 =	vadd.s32 s10, v48;
	v48 =	vld.idx.msk [tilespmem:v40+s17+$0x0], $0xffff  }
0x10a: {  	v61 =	vmin.f32 v43, $1.650000000e+01;
	v45 =	vtrunc.f32 v45;
	v30 =	vtrunc.f32 v30;
	v40 =	vld.idx.msk [tilespmem:v40+s5+$0x0], $0xffff  }
0x10b: {  	v26 =	vld [tilespmem:s6+$0x4E40];
	v60 =	vadd.f32 v39, v46;
	v63 =	vtrunc.f32 v61;
	v56 =	vmul.f32 $7.500000000e+00, v27  }
0x10c: {  	v31 =	vld.idx.msk [tilespmem:v31+s17+$0x0], $0xffff;
	v46 =	vadd.s32 s29, v34;
	v61 =	vmul.f32 $7.500000000e+00, v24;
	v29 =	vmul.f32 $7.500000000e+00, v23  }
0x10d: {  	v52 =	vld.idx.msk [tilespmem:v37+s17+$0x0], $0xffff;
	v30 =	vcvt.f32.s32 v30;
	v45 =	vcvt.f32.s32 v45;
	v53 =	vadd.f32 $8.500000000e+00, v56  }
0x10e: {  	v34 =	vld [tilespmem:s6+$0x4E70];
	v44 =	vcvt.f32.s32 v63;
	v56 =	vadd.f32 $8.500000000e+00, v61;
	v29 =	vadd.f32 $8.500000000e+00, v29  }
0x10f: {  	v41 =	vadd.s32 s10, v49;
	v58 =	vmul.f32 v50, v28;
	v28 =	vld [tilespmem:s6+$0x4E10];
	v33 =	vmul.f32 v40, v33  }
0x110: {  	v50 =	vmul.f32 $7.500000000e+00, v26;
	v39 =	vld.idx.msk [tilespmem:v47+s5+$0x0], $0xffff;
	v43 =	vmax.f32 v56, $0.0e+00;
	v29 =	vmax.f32 v29, $0.0e+00  }
0x111: {  	v56 =	vadd.f32 v48, v33;
	v33 =	vld [tilespmem:s6+$0x4E00];
	v42 =	vmin.f32 v29, $1.650000000e+01;
	v29 =	vmax.f32 v38, $0.0e+00  }
0x112: {  	v49 =	vadd.f32 v52, v58;
	v58 =	vadd.f32 $8.500000000e+00, v50;
	v38 =	vmin.f32 v29, $1.650000000e+01;
	v29 =	vld [tilespmem:s6+$0x4E30]  }
0x113: {  	v37 =	vadd.s32 s10, v30;
	v30 =	vtrunc.f32 v38;
	v38 =	vld.idx.msk [tilespmem:v47+s17+$0x0], $0xffff;
	v47 =	vadd.s32 s10, v45  }
0x114: {  	v63 =	vmax.f32 v58, $0.0e+00;
	v58 =	vtrunc.f32 v42;
	v42 =	vld.idx.msk [tilespmem:v46+s17+$0x0], $0xffff;
	v62 =	vcvt.f32.s32 v30  }
0x115: {  	v30 =	vld [tilespmem:s6+$0x4E20]  }
0x116: {  	v39 =	vmul.f32 v39, v36;
	v36 =	vld.idx.msk [tilespmem:v41+s17+$0x0], $0xffff;
	v52 =	vadd.s32 s10, v62  }
0x117: {  	v51 =	vadd.s32 s10, v44;
	v40 =	vmin.f32 v63, $1.650000000e+01;
	v41 =	vld.idx.msk [tilespmem:v41+s5+$0x0], $0xffff;
	v62 =	vmul.f32 $7.500000000e+00, v29  }
0x118: {  	s29 =	sadd.s32 $0x0, s15;
	v53 =	vmax.f32 v53, $0.0e+00;
	v63 =	vmin.f32 v43, $1.650000000e+01;
	v40 =	vtrunc.f32 v40;
	v44 =	vld.idx.msk [tilespmem:v47+s5+$0x0], $0xffff  }
0x119: {  	[tilespmem:s0+$0x10E40] =	vst v54;
	s7 =	smul.u32 $0x11, s29;
	v40 =	vcvt.f32.s32 v40;
	v50 =	vadd.f32 $8.500000000e+00, v62;
	v62 =	vmin.f32 v53, $1.650000000e+01;
	v53 =	vld.idx.msk [tilespmem:v46+s5+$0x0], $0xffff  }
0x11a: {  	v57 =	vadd.f32 v59, v57;
	[tilespmem:s0+$0x10E50] =	vst v55;
	v55 =	vtrunc.f32 v63;
	v61 =	vmul.f32 $7.500000000e+00, v30;
	v46 =	vld.idx.msk [tilespmem:v37+s5+$0x0], $0xffff  }
0x11b: {  	s28 =	simm.s32 $0x180;
	[tilespmem:s0+$0x10E60] =	vst v60;
	v58 =	vcvt.f32.s32 v58;
	v43 =	vadd.s32 s7, v40;
	v62 =	vtrunc.f32 v62;
	v40 =	vld.idx.msk [tilespmem:v52+s5+$0x0], $0xffff  }
0x11c: {  	s25 =	simm.s32 $0x10;
	s13 =	sadd.s32 s9, s3;
	s26 =	simm.s32 $0xC00;
	[tilespmem:s0+$0x10E10] =	vst v49;
	v45 =	vadd.f32 $8.500000000e+00, v61;
	v54 =	vcvt.f32.s32 v62;
	v49 =	vmax.f32 v50, $0.0e+00;
	v50 =	vld.idx.msk [tilespmem:v51+s5+$0x0], $0xffff  }
.LBB2_5:
0x11d: {  	s25 =	sadd.s32 $0x8, s25;
	s16 =	sand.u32 $0x2000, s28;
	s29 =	sand.u32 $0x1C00, s26;
	v48 =	vmul.f32 $7.500000000e+00, v34;
	v58 =	vadd.s32 s10, v58;
	v47 =	vld.idx.msk [tilespmem:v47+s17+$0x0], $0xffff;
	[tilespmem:s0+$0x10E00] =	vst v56;
	v35 =	vadd.f32 v31, v35  }
0x11e: {  	v38 =	vadd.f32 v38, v39;
	v56 =	vmul.f32 v41, v22;
	v18 =	vmul.f32 v53, v18;
	s18 =	sshrl.u32 s25, $0x6;
	s29 =	sor.u32 s29, s16;
	s20 =	sshll.u32 s25, $0x1;
	v52 =	vld.idx.msk [tilespmem:v52+s17+$0x0], $0xffff  }
0x11f: {  	v41 =	vmul.f32 v44, v21;
	p1 =	slt.u32 s25, $0x3F8;
	s16 =	sadd.s32 s15, s18;
	s18 =	sand.u32 $0x380, s20;
	v39 =	vadd.f32 $8.500000000e+00, v48;
	v31 =	vld.idx.msk [tilespmem:v51+s17+$0x0], $0xffff;
	v48 =	vmul.f32 v46, v25;
	[tilespmem:s0+$0x10E70] =	vst v57  }
0x120: {  	v51 =	vmul.f32 $7.500000000e+00, v33;
	v36 =	vadd.f32 v36, v56;
	v44 =	vadd.f32 v42, v18;
	s18 =	sor.u32 s18, s29;
	v57 =	vld.idx.msk [tilespmem:v37+s17+$0x0], $0xffff;
	[tilespmem:s0+$0x10E30] =	vst v35  }
0x121: {  	v32 =	vmax.f32 v32, $0.0e+00;
	v21 =	vmovc v24;
	v22 =	vmovc v27;
	v37 =	vmul.f32 $7.500000000e+00, v28;
	v35 =	vmax.f32 v39, $0.0e+00;
	[tilespmem:s14+$0x10E40] =	vst v38;
	v24 =	vld [tilespmem:s18+$0x4E60]  }
0x122: {  	v38 =	vadd.f32 $8.500000000e+00, v51;
	v18 =	vmovc v19;
	v42 =	vld [tilespmem:s18+$0x4E40];
	v46 =	vmin.f32 v35, $1.650000000e+01;
	v35 =	vmul.f32 v50, v17;
	[tilespmem:s0+$0x10E20] =	vst v44;
	v17 =	vmovc v29;
	s0 =	smov.u32 s14;
	s14 =	smov.u32 s6;
	s6 =	smov.u32 s18  }
0x123: {  	v25 =	vmovc v34;
	v39 =	vmin.f32 v32, $1.650000000e+01;
	v19 =	vmovc v30;
	v29 =	vadd.f32 $8.500000000e+00, v37;
	v27 =	vld [tilespmem:s6+$0x4E50];
	v37 =	vtrunc.f32 v46;
	[tilespmem:s0+$0x10E50] =	vst v36  }
0x124: {  	v32 =	vmovc v45;
	v30 =	vmax.f32 v38, $0.0e+00;
	v36 =	vadd.f32 v47, v41;
	v34 =	vcvt.f32.s32 v37;
	v50 =	vld.idx.msk [tilespmem:v58+s17+$0x0], $0xffff  }
0x125: {  	v44 =	vmin.f32 v30, $1.650000000e+01;
	v29 =	vmax.f32 v29, $0.0e+00;
	v30 =	vtrunc.f32 v39;
	v41 =	vld.idx.msk [tilespmem:v43+s5+$0x0], $0xffff  }
0x126: {  	v45 =	vadd.s32 s7, v54;
	v39 =	vmul.f32 v40, v20;
	v20 =	vmovc v28;
	v38 =	vmin.f32 v29, $1.650000000e+01;
	v46 =	vld.idx.msk [tilespmem:v58+s5+$0x0], $0xffff;
	[tilespmem:s0+$0x10E60] =	vst v36  }
0x127: {  	v36 =	vcvt.f32.s32 v55;
	v37 =	vadd.s32 s7, v34;
	v34 =	vcvt.f32.s32 v30;
	v29 =	vld [tilespmem:s6+$0x4E30]  }
0x128: {  	v30 =	vtrunc.f32 v38;
	v38 =	vmin.f32 v49, $1.650000000e+01;
	v39 =	vadd.f32 v52, v39;
	v28 =	vld [tilespmem:s6+$0x4E10]  }
0x129: {  	v40 =	vcvt.f32.s32 v30;
	v49 =	vtrunc.f32 v38;
	v47 =	vadd.s32 s7, v36;
	v38 =	vld.idx.msk [tilespmem:v43+s17+$0x0], $0xffff  }
0x12a: {  	v49 =	vcvt.f32.s32 v49;
	v53 =	vadd.s32 s10, v34;
	s10 =	smov.u32 s7;
	v43 =	vmul.f32 $7.500000000e+00, v42;
	v30 =	vld [tilespmem:s6+$0x4E20];
	[tilespmem:s0+$0x10E10] =	vst v39  }
0x12b: {  	v34 =	vmul.f32 $7.500000000e+00, v27;
	v52 =	vadd.s32 s10, v40;
	v39 =	vmul.f32 v41, v26;
	v26 =	vmovc v42;
	v36 =	vld.idx.msk [tilespmem:v45+s17+$0x0], $0xffff  }
0x12c: {  	v42 =	vmul.f32 $7.500000000e+00, v24;
	v51 =	vadd.s32 s10, v49;
	v40 =	vadd.f32 $8.500000000e+00, v43;
	v41 =	vld.idx.msk [tilespmem:v45+s5+$0x0], $0xffff  }
0x12d: {  	v49 =	vmul.f32 v46, v23;
	v23 =	vmovc v33;
	v43 =	vmul.f32 $7.500000000e+00, v29;
	v45 =	vadd.f32 $8.500000000e+00, v34;
	v34 =	vld [tilespmem:s6+$0x4E70]  }
0x12e: {  	v46 =	vtrunc.f32 v44;
	v33 =	vmax.f32 v40, $0.0e+00;
	v40 =	vadd.f32 $8.500000000e+00, v42;
	v44 =	vld.idx.msk [tilespmem:v47+s5+$0x0], $0xffff  }
0x12f: {  	v55 =	vadd.f32 $8.500000000e+00, v43;
	v33 =	vmin.f32 v33, $1.650000000e+01;
	v43 =	vmax.f32 v45, $0.0e+00;
	v42 =	vld.idx.msk [tilespmem:v53+s17+$0x0], $0xffff  }
.Ltmp1:
0x130: {  	v45 =	vmul.f32 $7.500000000e+00, v30;
	v33 =	vtrunc.f32 v33;
	v43 =	vmin.f32 v43, $1.650000000e+01;
	v53 =	vld.idx.msk [tilespmem:v53+s5+$0x0], $0xffff;
	(pc) =	sbr.rel @p1 .LBB2_5-.Ltmp1, $4  }
0x131: {  	s7 =	smul.u32 $0x11, s16;
	v58 =	vcvt.f32.s32 v46;
	v40 =	vmax.f32 v40, $0.0e+00;
	v54 =	vcvt.f32.s32 v33;
	v46 =	vld.idx.msk [tilespmem:v37+s5+$0x0], $0xffff  }
0x132: {  	v56 =	vadd.f32 v50, v49;
	v59 =	vtrunc.f32 v43;
	v60 =	vmin.f32 v40, $1.650000000e+01;
	v33 =	vld [tilespmem:s6+$0x4E00]  }
0x133: {  	v45 =	vadd.f32 $8.500000000e+00, v45;
	v43 =	vadd.s32 s7, v54;
	v54 =	vcvt.f32.s32 v59;
	v40 =	vld.idx.msk [tilespmem:v52+s5+$0x0], $0xffff  }
0x134: {  	s26 =	sadd.s32 $0x400, s26;
	s28 =	sadd.s32 $0x80, s28;
	v57 =	vadd.f32 v57, v48;
	v49 =	vmax.f32 v55, $0.0e+00;
	v55 =	vtrunc.f32 v60;
	v50 =	vld.idx.msk [tilespmem:v51+s5+$0x0], $0xffff  }
0x135: {  	_ =	sdelay $0x2  }
0x136: {  	v48 =	vmul.f32 $7.500000000e+00, v34;
	v58 =	vadd.s32 s10, v58;
	v60 =	vmul.f32 $7.500000000e+00, v28  }
0x137: {  	v47 =	vld.idx.msk [tilespmem:v47+s17+$0x0], $0xffff;
	v32 =	vmax.f32 v32, $0.0e+00;
	v54 =	vadd.s32 s7, v54;
	v55 =	vcvt.f32.s32 v55  }
0x138: {  	v52 =	vld.idx.msk [tilespmem:v52+s17+$0x0], $0xffff;
	v49 =	vmin.f32 v49, $1.650000000e+01;
	v31 =	vadd.f32 v31, v35;
	v38 =	vadd.f32 v38, v39  }
0x139: {  	v51 =	vld.idx.msk [tilespmem:v51+s17+$0x0], $0xffff;
	v22 =	vmul.f32 v41, v22;
	v32 =	vmin.f32 v32, $1.650000000e+01;
	v49 =	vtrunc.f32 v49  }
0x13a: {  	v37 =	vld.idx.msk [tilespmem:v37+s17+$0x0], $0xffff;
	v48 =	vadd.f32 $8.500000000e+00, v48;
	v59 =	vmul.f32 $7.500000000e+00, v33;
	v60 =	vadd.f32 $8.500000000e+00, v60  }
0x13b: {  	v62 =	vld.idx.msk [tilespmem:v43+s5+$0x0], $0xffff;
	v32 =	vtrunc.f32 v32;
	v55 =	vadd.s32 s7, v55;
	v49 =	vcvt.f32.s32 v49  }
0x13c: {  	v43 =	vld.idx.msk [tilespmem:v43+s17+$0x0], $0xffff;
	v22 =	vadd.f32 v36, v22;
	v32 =	vcvt.f32.s32 v32;
	v48 =	vmax.f32 v48, $0.0e+00  }
0x13d: {  	v59 =	vadd.f32 $8.500000000e+00, v59;
	v60 =	vmax.f32 v60, $0.0e+00;
	v48 =	vmin.f32 v48, $1.650000000e+01;
	v61 =	vld.idx.msk [tilespmem:v58+s17+$0x0], $0xffff  }
0x13e: {  	v60 =	vmin.f32 v60, $1.650000000e+01;
	v58 =	vld.idx.msk [tilespmem:v58+s5+$0x0], $0xffff;
	v32 =	vadd.s32 s10, v32;
	v48 =	vtrunc.f32 v48  }
0x13f: {  	v63 =	vld.idx.msk [tilespmem:v54+s17+$0x0], $0xffff;
	v60 =	vtrunc.f32 v60;
	v59 =	vmax.f32 v59, $0.0e+00;
	v48 =	vcvt.f32.s32 v48  }
0x140: {  	v39 =	vadd.s32 s7, v49;
	v54 =	vld.idx.msk [tilespmem:v54+s5+$0x0], $0xffff;
	v60 =	vcvt.f32.s32 v60;
	v35 =	vmin.f32 v59, $1.650000000e+01  }
0x141: {  	v18 =	vmul.f32 v53, v18;
	v49 =	vld.idx.msk [tilespmem:v55+s5+$0x0], $0xffff;
	v35 =	vtrunc.f32 v35;
	v48 =	vadd.s32 s7, v48  }
0x142: {  	v45 =	vmax.f32 v45, $0.0e+00;
	[tilespmem:s14+$0x10E50] =	vst v22;
	v22 =	vld.idx.msk [tilespmem:v55+s17+$0x0], $0xffff;
	v59 =	vadd.s32 s7, v60;
	v35 =	vcvt.f32.s32 v35  }
0x143: {  	[tilespmem:s0+$0x10E00] =	vst v56;
	v21 =	vmul.f32 v44, v21;
	v18 =	vadd.f32 v42, v18;
	v60 =	vmin.f32 v45, $1.650000000e+01;
	v56 =	vld.idx.msk [tilespmem:v32+s17+$0x0], $0xffff  }
0x144: {  	[tilespmem:s0+$0x10E70] =	vst v57;
	v20 =	vmul.f32 v40, v20;
	v32 =	vld.idx.msk [tilespmem:v32+s5+$0x0], $0xffff;
	v41 =	vtrunc.f32 v60;
	v35 =	vadd.s32 s7, v35  }
0x145: {  	[tilespmem:s0+$0x10E20] =	vst v18;
	v18 =	vadd.f32 v47, v21;
	v21 =	vmul.f32 v58, v23;
	v23 =	vld.idx.msk [tilespmem:v39+s5+$0x0], $0xffff;
	v45 =	vcvt.f32.s32 v41  }
0x146: {  	[tilespmem:s0+$0x10E30] =	vst v31;
	v31 =	vld.idx.msk [tilespmem:v48+s5+$0x0], $0xffff  }
0x147: {  	v25 =	vmul.f32 v46, v25;
	[tilespmem:s14+$0x10E40] =	vst v38;
	v20 =	vadd.f32 v52, v20;
	v38 =	vadd.s32 s7, v45;
	v44 =	vld.idx.msk [tilespmem:v59+s5+$0x0], $0xffff  }
0x148: {  	v17 =	vmul.f32 v50, v17;
	[tilespmem:s14+$0x10E60] =	vst v18;
	v18 =	vadd.f32 v61, v21;
	v21 =	vld.idx.msk [tilespmem:v59+s17+$0x0], $0xffff  }
0x149: {  	v25 =	vadd.f32 v37, v25;
	[tilespmem:s14+$0x10E10] =	vst v20;
	v20 =	vmul.f32 v62, v26;
	v26 =	vld.idx.msk [tilespmem:v35+s5+$0x0], $0xffff  }
0x14a: {  	v17 =	vadd.f32 v51, v17;
	[tilespmem:s14+$0x10E00] =	vst v18;
	v18 =	vmul.f32 v32, v19;
	v19 =	vld.idx.msk [tilespmem:v48+s17+$0x0], $0xffff  }
0x14b: {  	[tilespmem:s14+$0x10E70] =	vst v25;
	v20 =	vadd.f32 v43, v20;
	v27 =	vmul.f32 v54, v27;
	v25 =	vld.idx.msk [tilespmem:v35+s17+$0x0], $0xffff  }
0x14c: {  	[tilespmem:s14+$0x10E30] =	vst v17;
	v24 =	vmul.f32 v49, v24;
	v18 =	vadd.f32 v56, v18;
	v17 =	vld.idx.msk [tilespmem:v38+s5+$0x0], $0xffff  }
0x14d: {  	v47 =	vld.idx.msk [tilespmem:v39+s17+$0x0], $0xffff;
	[tilespmem:s6+$0x10E40] =	vst v20;
	v27 =	vadd.f32 v63, v27;
	v20 =	vmul.f32 v44, v28  }
0x14e: {  	[tilespmem:s14+$0x10E20] =	vst v18;
	v18 =	vadd.f32 v22, v24;
	v24 =	vld.idx.msk [tilespmem:v38+s17+$0x0], $0xffff;
	v22 =	vmul.f32 v26, v33  }
0x14f: {  	[tilespmem:s6+$0x10E50] =	vst v27;
	v26 =	vmul.f32 v31, v34;
	v20 =	vadd.f32 v21, v20  }
0x150: {  	v21 =	vmul.f32 v23, v29;
	[tilespmem:s6+$0x10E60] =	vst v18;
	v18 =	vadd.f32 v25, v22  }
0x151: {  	[tilespmem:s6+$0x10E10] =	vst v20;
	v19 =	vadd.f32 v19, v26;
	v17 =	vmul.f32 v17, v30  }
0x152: {  	p1 =	seq.s32 s31, $0xF;
	[tilespmem:s6+$0x10E00] =	vst v18;
	v18 =	vadd.f32 v47, v21  }
0x153: {  	s0 =	smul.u32 @!p1 $0xC000, s31;
	[tilespmem:s6+$0x10E70] =	vst v19;
	v17 =	vadd.f32 v24, v17  }
0x154: {  	s14 =	sshll.u32 s13, $0x7;
	[tilespmem:s6+$0x10E30] =	vst v18  }
0x155: {  	s16 =	simm.s32 $0x10E00;
	s15 =	sadd.s32 s4, s14;
	[tilespmem:s6+$0x10E20] =	vst v17;
	s6 =	sadd.s32 @!p1 s0, s11  }
0x156: {  	[hbm4b:s15+s5] =	stream.linear.scatter [tilespmem:s16], [sflag:$0x4], $0x4000, $0x38;
	[tilespmem:$0x1CE00] =	vst v63  }
0x157: {  	s6 =	sshrl.u32 @!p1 s6, $0x3  }
0x158: {  	s10 =	simm.s32 @!p1 $0x4E00;
	s7 =	simm.s32 @!p1 $0x0;
	s6 =	sadd.s32 @!p1 s1, s6  }
0x159: {  	[tilespmem:s10], [sflag:$0x1] =	stream.linear.gather @!p1 [hbm4b:s6+s7], $0x4000, $0x38;
	[tilespmem:$0x1CE00] =	vst v63  }
0x15a: {  	_ =	swait.ge [sflag:s21], $0x4000  }
0x15b: {  	s18 =	simm.s32 $0x0;
	[sflag:s21] =	ssyncset.done $0x0  }
0x15c: {  	s25 =	simm.s32 $0x0;
	s6 =	simm.s32 @!p0 $0x5;
	[sflag:s21] =	ssyncadd.s32 $0xFFFFC000  }
0x15d: {  	s20 =	sand.u32 $0x2000, s18;
	s7 =	sand.u32 $0x1C00, s18;
	_ =	swait.ge @!p0 [sflag:s6], $0x4000  }
0x15e: {  	s26 =	sand.u32 $0x380, s25;
	s7 =	sor.u32 s7, s20;
	[sflag:s6] =	ssyncset.done @!p0 $0x0  }
0x15f: {  	s14 =	sor.u32 s26, s7;
	[sflag:s6] =	ssyncadd.s32 @!p0 $0xFFFFC000  }
0x160: {  	v23 =	vld [tilespmem:s14+$0x8E40]  }
0x161: {  	v24 =	vld [tilespmem:s14+$0x8E60]  }
0x162: {  	v26 =	vld [tilespmem:s14+$0x8E50]  }
0x163: {  	v27 =	vld [tilespmem:s14+$0x8E30]  }
0x164: {  	s13 =	sadd.s32 $0x10, s3;
	v29 =	vld [tilespmem:s14+$0x8E70]  }
0x165: {  	s3 =	smulhi.u32 $0xAAAAAAAB, s13;
	v33 =	vld [tilespmem:s14+$0x8E00]  }
0x166: {  	v18 =	vld [tilespmem:s14+$0x8E20]  }
0x167: {  	s3 =	sshrl.u32 s3, $0x8;
	v17 =	vmul.f32 $7.500000000e+00, v23  }
0x168: {  	s3 =	smul.u32 $0x180, s3;
	v19 =	vmul.f32 $7.500000000e+00, v26;
	v20 =	vmul.f32 $7.500000000e+00, v24  }
0x169: {  	v21 =	vmul.f32 $7.500000000e+00, v27;
	v25 =	vmul.f32 $7.500000000e+00, v29;
	v17 =	vadd.f32 $8.500000000e+00, v17  }
0x16a: {  	s29 =	simm.s32 $0x400;
	s15 =	ssub.s32 s13, s3;
	v31 =	vmul.f32 $7.500000000e+00, v33;
	v19 =	vadd.f32 $8.500000000e+00, v19;
	v20 =	vadd.f32 $8.500000000e+00, v20  }
0x16b: {  	s16 =	simm.s32 $0x10;
	s3 =	sadd.s32 $0x0, s15;
	s10 =	simm.s32 $0x80;
	v22 =	vadd.f32 $8.500000000e+00, v21;
	v21 =	vmul.f32 $7.500000000e+00, v18;
	v25 =	vadd.f32 $8.500000000e+00, v25  }
0x16c: {  	s7 =	smul.u32 $0x11, s3;
	s3 =	sand.u32 $0x1C00, s29;
	s6 =	sand.u32 $0x2000, s10;
	v17 =	vmax.f32 v17, $0.0e+00;
	v19 =	vmax.f32 v19, $0.0e+00;
	v20 =	vmax.f32 v20, $0.0e+00  }
0x16d: {  	s18 =	sand.u32 $0x380, s16;
	s3 =	sor.u32 s3, s6;
	v48 =	vmax.f32 v22, $0.0e+00;
	v22 =	vmax.f32 v25, $0.0e+00;
	v17 =	vmin.f32 v17, $1.650000000e+01  }
0x16e: {  	v28 =	vld [tilespmem:s14+$0x8E10];
	s3 =	sor.u32 s18, s3;
	v25 =	vadd.f32 $8.500000000e+00, v31;
	v19 =	vmin.f32 v19, $1.650000000e+01;
	v17 =	vtrunc.f32 v17  }
0x16f: {  	v36 =	vld [tilespmem:s3+$0x8E40];
	v20 =	vmin.f32 v20, $1.650000000e+01;
	v19 =	vtrunc.f32 v19;
	v17 =	vcvt.f32.s32 v17  }
0x170: {  	v31 =	vmin.f32 v22, $1.650000000e+01;
	v32 =	vmin.f32 v48, $1.650000000e+01;
	v19 =	vcvt.f32.s32 v19  }
0x171: {  	v20 =	vtrunc.f32 v20;
	v31 =	vtrunc.f32 v31;
	v30 =	vadd.s32 s7, v17  }
0x172: {  	v22 =	vld [tilespmem:s3+$0x8E50];
	v51 =	vadd.s32 s7, v19;
	v19 =	vmax.f32 v25, $0.0e+00;
	v25 =	vcvt.f32.s32 v20  }
0x173: {  	v34 =	vadd.f32 $8.500000000e+00, v21;
	v21 =	vld [tilespmem:s3+$0x8E60];
	v32 =	vtrunc.f32 v32;
	v17 =	vmul.f32 $7.500000000e+00, v28  }
0x174: {  	v31 =	vcvt.f32.s32 v31;
	v20 =	vld [tilespmem:s3+$0x8E10];
	v39 =	vadd.s32 s7, v25;
	v25 =	vmul.f32 $7.500000000e+00, v36  }
0x175: {  	v34 =	vmax.f32 v34, $0.0e+00;
	v52 =	vmin.f32 v19, $1.650000000e+01;
	v19 =	vld [tilespmem:s3+$0x8E20];
	v17 =	vadd.f32 $8.500000000e+00, v17  }
0x176: {  	v34 =	vmin.f32 v34, $1.650000000e+01;
	v41 =	vadd.s32 s7, v31;
	v54 =	vadd.f32 $8.500000000e+00, v25;
	v25 =	vld [tilespmem:s3+$0x8E70]  }
0x177: {  	v31 =	vcvt.f32.s32 v32;
	v53 =	vmul.f32 $7.500000000e+00, v22;
	v17 =	vmax.f32 v17, $0.0e+00;
	v49 =	vld.idx.msk [tilespmem:v30+s5+$0x0], $0xffff  }
0x178: {  	v34 =	vtrunc.f32 v34;
	v40 =	vtrunc.f32 v52;
	v50 =	vmin.f32 v17, $1.650000000e+01;
	v17 =	vld [tilespmem:s3+$0x8E30]  }
0x179: {  	v31 =	vadd.s32 s7, v31;
	v32 =	vadd.f32 $8.500000000e+00, v53;
	v40 =	vcvt.f32.s32 v40;
	v30 =	vld.idx.msk [tilespmem:v30+s17+$0x0], $0xffff  }
0x17a: {  	v34 =	vcvt.f32.s32 v34;
	v42 =	vld.idx.msk [tilespmem:v51+s17+$0x0], $0xffff  }
0x17b: {  	v38 =	vld.idx.msk [tilespmem:v51+s5+$0x0], $0xffff;
	v32 =	vmax.f32 v32, $0.0e+00;
	v40 =	vadd.s32 s7, v40;
	v51 =	vmul.f32 $7.500000000e+00, v20  }
0x17c: {  	v58 =	vld.idx.msk [tilespmem:v41+s5+$0x0], $0xffff;
	v37 =	vtrunc.f32 v50;
	v59 =	vmul.f32 $7.500000000e+00, v19;
	v32 =	vmin.f32 v32, $1.650000000e+01  }
0x17d: {  	v43 =	vmax.f32 v54, $0.0e+00;
	v37 =	vcvt.f32.s32 v37;
	v46 =	vld.idx.msk [tilespmem:v39+s5+$0x0], $0xffff;
	v61 =	vtrunc.f32 v32  }
0x17e: {  	v62 =	vld.idx.msk [tilespmem:v31+s5+$0x0], $0xffff;
	v32 =	vadd.f32 $8.500000000e+00, v59;
	v35 =	vmul.f32 v49, v23;
	v23 =	vmul.f32 $7.500000000e+00, v21  }
0x17f: {  	v39 =	vld.idx.msk [tilespmem:v39+s17+$0x0], $0xffff;
	v37 =	vadd.s32 s7, v37;
	v63 =	vmul.f32 $7.500000000e+00, v25;
	v55 =	vmul.f32 $7.500000000e+00, v17  }
0x180: {  	s25 =	simm.s32 $0x800;
	s16 =	simm.s32 $0x100;
	s20 =	sadd.s32 $0x0, s15;
	v31 =	vld.idx.msk [tilespmem:v31+s17+$0x0], $0xffff;
	v49 =	vcvt.f32.s32 v61;
	v56 =	vadd.f32 $8.500000000e+00, v23;
	v23 =	vmin.f32 v43, $1.650000000e+01  }
0x181: {  	s16 =	sand.u32 $0x2000, s16;
	s6 =	sand.u32 $0x1C00, s25;
	s18 =	simm.s32 $0x20;
	v59 =	vld.idx.msk [tilespmem:v41+s17+$0x0], $0xffff;
	v26 =	vmul.f32 v38, v26;
	v38 =	vadd.f32 $8.500000000e+00, v51;
	v23 =	vtrunc.f32 v23  }
0x182: {  	s10 =	smul.u32 $0x11, s20;
	s6 =	sor.u32 s6, s16;
	s26 =	sand.u32 $0x380, s18;
	v57 =	vadd.f32 $8.500000000e+00, v55;
	v54 =	vadd.f32 v30, v35;
	v60 =	vcvt.f32.s32 v23;
	v23 =	vld [tilespmem:s3+$0x8E00]  }
0x183: {  	s6 =	sor.u32 s26, s6;
	v48 =	vld.idx.msk [tilespmem:v40+s17+$0x0], $0xffff;
	v30 =	vadd.f32 $8.500000000e+00, v63;
	v46 =	vmul.f32 v46, v24;
	v55 =	vadd.f32 v42, v26  }
0x184: {  	v26 =	vld [tilespmem:s6+$0x8E40];
	v35 =	vmul.f32 v62, v27;
	v41 =	vadd.s32 s10, v49;
	v45 =	vmax.f32 v56, $0.0e+00  }
0x185: {  	v27 =	vld [tilespmem:s6+$0x8E50];
	v43 =	vmax.f32 v57, $0.0e+00;
	v57 =	vmul.f32 v58, v29;
	v30 =	vmax.f32 v30, $0.0e+00  }
0x186: {  	v50 =	vld.idx.msk [tilespmem:v37+s5+$0x0], $0xffff;
	v45 =	vmin.f32 v45, $1.650000000e+01;
	v30 =	vmin.f32 v30, $1.650000000e+01;
	v47 =	vadd.s32 s10, v60  }
0x187: {  	v40 =	vld.idx.msk [tilespmem:v40+s5+$0x0], $0xffff;
	v56 =	vmin.f32 v43, $1.650000000e+01;
	v45 =	vtrunc.f32 v45;
	v29 =	vmul.f32 $7.500000000e+00, v23  }
0x188: {  	v52 =	vld.idx.msk [tilespmem:v37+s17+$0x0], $0xffff;
	v30 =	vtrunc.f32 v30;
	v60 =	vadd.f32 v39, v46;
	v61 =	vtrunc.f32 v56  }
0x189: {  	v24 =	vld [tilespmem:s6+$0x8E60];
	v30 =	vcvt.f32.s32 v30;
	v62 =	vmul.f32 $7.500000000e+00, v26;
	v29 =	vadd.f32 $8.500000000e+00, v29  }
0x18a: {  	v46 =	vadd.s32 s7, v34;
	v34 =	vld [tilespmem:s6+$0x8E70];
	v45 =	vcvt.f32.s32 v45;
	v63 =	vmul.f32 $7.500000000e+00, v27  }
0x18b: {  	v53 =	vmul.f32 v50, v28;
	v56 =	vadd.f32 $8.500000000e+00, v62;
	v39 =	vld.idx.msk [tilespmem:v47+s5+$0x0], $0xffff;
	v29 =	vmax.f32 v29, $0.0e+00  }
0x18c: {  	v28 =	vld [tilespmem:s6+$0x8E10];
	v62 =	vadd.f32 $8.500000000e+00, v63;
	v42 =	vmin.f32 v29, $1.650000000e+01;
	v29 =	vmax.f32 v38, $0.0e+00  }
0x18d: {  	v37 =	vadd.s32 s10, v30;
	v49 =	vadd.f32 v52, v53;
	v38 =	vmin.f32 v29, $1.650000000e+01;
	v29 =	vld [tilespmem:s6+$0x8E30]  }
0x18e: {  	v53 =	vmax.f32 v62, $0.0e+00;
	v30 =	vtrunc.f32 v38;
	v38 =	vld.idx.msk [tilespmem:v47+s17+$0x0], $0xffff;
	v47 =	vadd.s32 s10, v45  }
0x18f: {  	v33 =	vmul.f32 v40, v33;
	v62 =	vmin.f32 v53, $1.650000000e+01;
	v53 =	vld.idx.msk [tilespmem:v46+s5+$0x0], $0xffff  }
0x190: {  	v39 =	vmul.f32 v39, v36;
	v36 =	vld.idx.msk [tilespmem:v41+s17+$0x0], $0xffff;
	v58 =	vcvt.f32.s32 v30  }
0x191: {  	v57 =	vadd.f32 v59, v57;
	v44 =	vcvt.f32.s32 v61;
	v63 =	vmax.f32 v56, $0.0e+00;
	v30 =	vld [tilespmem:s6+$0x8E20]  }
0x192: {  	v40 =	vmin.f32 v63, $1.650000000e+01;
	v41 =	vld.idx.msk [tilespmem:v41+s5+$0x0], $0xffff;
	v52 =	vadd.s32 s10, v58;
	v58 =	vmul.f32 $7.500000000e+00, v24  }
0x193: {  	v51 =	vadd.s32 s10, v44;
	v40 =	vtrunc.f32 v40;
	v61 =	vmul.f32 $7.500000000e+00, v29;
	v44 =	vld.idx.msk [tilespmem:v47+s5+$0x0], $0xffff  }
0x194: {  	s29 =	sadd.s32 $0x0, s15;
	v62 =	vtrunc.f32 v62;
	v56 =	vadd.f32 $8.500000000e+00, v58;
	v58 =	vtrunc.f32 v42;
	v42 =	vld.idx.msk [tilespmem:v46+s17+$0x0], $0xffff  }
0x195: {  	[tilespmem:s14+$0x14E40] =	vst v54;
	s7 =	smul.u32 $0x11, s29;
	v40 =	vcvt.f32.s32 v40;
	v54 =	vcvt.f32.s32 v62;
	v46 =	vld.idx.msk [tilespmem:v37+s5+$0x0], $0xffff;
	v50 =	vadd.f32 $8.500000000e+00, v61  }
0x196: {  	[tilespmem:s14+$0x14E50] =	vst v55;
	v61 =	vmul.f32 $7.500000000e+00, v30;
	v43 =	vmax.f32 v56, $0.0e+00;
	v56 =	vadd.f32 v48, v33;
	v33 =	vld [tilespmem:s6+$0x8E00]  }
0x197: {  	s28 =	simm.s32 $0x180;
	[tilespmem:s14+$0x14E60] =	vst v60;
	v58 =	vcvt.f32.s32 v58;
	v63 =	vmin.f32 v43, $1.650000000e+01;
	v43 =	vadd.s32 s7, v40;
	v40 =	vld.idx.msk [tilespmem:v52+s5+$0x0], $0xffff  }
0x198: {  	s13 =	sadd.s32 s9, s13;
	s25 =	simm.s32 $0x10;
	s26 =	simm.s32 $0xC00;
	[tilespmem:s14+$0x14E10] =	vst v49;
	v45 =	vadd.f32 $8.500000000e+00, v61;
	v49 =	vmax.f32 v50, $0.0e+00;
	v50 =	vld.idx.msk [tilespmem:v51+s5+$0x0], $0xffff;
	v55 =	vtrunc.f32 v63  }
.LBB2_7:
0x199: {  	s25 =	sadd.s32 $0x8, s25;
	s16 =	sand.u32 $0x2000, s28;
	s18 =	sand.u32 $0x1C00, s26;
	v48 =	vmul.f32 $7.500000000e+00, v34;
	v58 =	vadd.s32 s10, v58;
	v47 =	vld.idx.msk [tilespmem:v47+s17+$0x0], $0xffff;
	[tilespmem:s14+$0x14E00] =	vst v56;
	v35 =	vadd.f32 v31, v35  }
0x19a: {  	v38 =	vadd.f32 v38, v39;
	v56 =	vmul.f32 v41, v22;
	v18 =	vmul.f32 v53, v18;
	s20 =	sshrl.u32 s25, $0x6;
	s18 =	sor.u32 s18, s16;
	s29 =	sshll.u32 s25, $0x1;
	v52 =	vld.idx.msk [tilespmem:v52+s17+$0x0], $0xffff  }
0x19b: {  	v41 =	vmul.f32 v44, v21;
	p2 =	slt.u32 s25, $0x3F8;
	s16 =	sadd.s32 s15, s20;
	s20 =	sand.u32 $0x380, s29;
	v39 =	vadd.f32 $8.500000000e+00, v48;
	v31 =	vld.idx.msk [tilespmem:v51+s17+$0x0], $0xffff;
	v48 =	vmul.f32 v46, v25;
	[tilespmem:s14+$0x14E70] =	vst v57  }
0x19c: {  	v51 =	vmul.f32 $7.500000000e+00, v33;
	v36 =	vadd.f32 v36, v56;
	v44 =	vadd.f32 v42, v18;
	s18 =	sor.u32 s20, s18;
	v57 =	vld.idx.msk [tilespmem:v37+s17+$0x0], $0xffff;
	[tilespmem:s14+$0x14E30] =	vst v35  }
0x19d: {  	v32 =	vmax.f32 v32, $0.0e+00;
	v21 =	vmovc v24;
	v22 =	vmovc v27;
	v37 =	vmul.f32 $7.500000000e+00, v28;
	v35 =	vmax.f32 v39, $0.0e+00;
	[tilespmem:s3+$0x14E40] =	vst v38;
	v24 =	vld [tilespmem:s18+$0x8E60]  }
0x19e: {  	v38 =	vadd.f32 $8.500000000e+00, v51;
	v18 =	vmovc v19;
	v42 =	vld [tilespmem:s18+$0x8E40];
	v46 =	vmin.f32 v35, $1.650000000e+01;
	v35 =	vmul.f32 v50, v17;
	[tilespmem:s14+$0x14E20] =	vst v44;
	v17 =	vmovc v29;
	s14 =	smov.u32 s3;
	s3 =	smov.u32 s6;
	s6 =	smov.u32 s18  }
0x19f: {  	v25 =	vmovc v34;
	v39 =	vmin.f32 v32, $1.650000000e+01;
	v19 =	vmovc v30;
	v29 =	vadd.f32 $8.500000000e+00, v37;
	v27 =	vld [tilespmem:s6+$0x8E50];
	v37 =	vtrunc.f32 v46;
	[tilespmem:s14+$0x14E50] =	vst v36  }
0x1a0: {  	v32 =	vmovc v45;
	v30 =	vmax.f32 v38, $0.0e+00;
	v36 =	vadd.f32 v47, v41;
	v34 =	vcvt.f32.s32 v37;
	v50 =	vld.idx.msk [tilespmem:v58+s17+$0x0], $0xffff  }
0x1a1: {  	v44 =	vmin.f32 v30, $1.650000000e+01;
	v29 =	vmax.f32 v29, $0.0e+00;
	v30 =	vtrunc.f32 v39;
	v41 =	vld.idx.msk [tilespmem:v43+s5+$0x0], $0xffff  }
0x1a2: {  	v45 =	vadd.s32 s7, v54;
	v39 =	vmul.f32 v40, v20;
	v20 =	vmovc v28;
	v38 =	vmin.f32 v29, $1.650000000e+01;
	v46 =	vld.idx.msk [tilespmem:v58+s5+$0x0], $0xffff;
	[tilespmem:s14+$0x14E60] =	vst v36  }
0x1a3: {  	v36 =	vcvt.f32.s32 v55;
	v37 =	vadd.s32 s7, v34;
	v34 =	vcvt.f32.s32 v30;
	v29 =	vld [tilespmem:s6+$0x8E30]  }
0x1a4: {  	v30 =	vtrunc.f32 v38;
	v38 =	vmin.f32 v49, $1.650000000e+01;
	v39 =	vadd.f32 v52, v39;
	v28 =	vld [tilespmem:s6+$0x8E10]  }
0x1a5: {  	v40 =	vcvt.f32.s32 v30;
	v49 =	vtrunc.f32 v38;
	v47 =	vadd.s32 s7, v36;
	v38 =	vld.idx.msk [tilespmem:v43+s17+$0x0], $0xffff  }
0x1a6: {  	v49 =	vcvt.f32.s32 v49;
	v53 =	vadd.s32 s10, v34;
	s10 =	smov.u32 s7;
	v43 =	vmul.f32 $7.500000000e+00, v42;
	v30 =	vld [tilespmem:s6+$0x8E20];
	[tilespmem:s14+$0x14E10] =	vst v39  }
0x1a7: {  	v34 =	vmul.f32 $7.500000000e+00, v27;
	v52 =	vadd.s32 s10, v40;
	v39 =	vmul.f32 v41, v26;
	v26 =	vmovc v42;
	v36 =	vld.idx.msk [tilespmem:v45+s17+$0x0], $0xffff  }
0x1a8: {  	v42 =	vmul.f32 $7.500000000e+00, v24;
	v51 =	vadd.s32 s10, v49;
	v40 =	vadd.f32 $8.500000000e+00, v43;
	v41 =	vld.idx.msk [tilespmem:v45+s5+$0x0], $0xffff  }
0x1a9: {  	v49 =	vmul.f32 v46, v23;
	v23 =	vmovc v33;
	v43 =	vmul.f32 $7.500000000e+00, v29;
	v45 =	vadd.f32 $8.500000000e+00, v34;
	v34 =	vld [tilespmem:s6+$0x8E70]  }
0x1aa: {  	v46 =	vtrunc.f32 v44;
	v33 =	vmax.f32 v40, $0.0e+00;
	v40 =	vadd.f32 $8.500000000e+00, v42;
	v44 =	vld.idx.msk [tilespmem:v47+s5+$0x0], $0xffff  }
0x1ab: {  	v55 =	vadd.f32 $8.500000000e+00, v43;
	v33 =	vmin.f32 v33, $1.650000000e+01;
	v43 =	vmax.f32 v45, $0.0e+00;
	v42 =	vld.idx.msk [tilespmem:v53+s17+$0x0], $0xffff  }
.Ltmp2:
0x1ac: {  	v45 =	vmul.f32 $7.500000000e+00, v30;
	v33 =	vtrunc.f32 v33;
	v43 =	vmin.f32 v43, $1.650000000e+01;
	v53 =	vld.idx.msk [tilespmem:v53+s5+$0x0], $0xffff;
	(pc) =	sbr.rel @p2 .LBB2_7-.Ltmp2, $4  }
0x1ad: {  	s7 =	smul.u32 $0x11, s16;
	v58 =	vcvt.f32.s32 v46;
	v40 =	vmax.f32 v40, $0.0e+00;
	v54 =	vcvt.f32.s32 v33;
	v46 =	vld.idx.msk [tilespmem:v37+s5+$0x0], $0xffff  }
0x1ae: {  	v56 =	vadd.f32 v50, v49;
	v59 =	vtrunc.f32 v43;
	v60 =	vmin.f32 v40, $1.650000000e+01;
	v33 =	vld [tilespmem:s6+$0x8E00]  }
0x1af: {  	v45 =	vadd.f32 $8.500000000e+00, v45;
	v43 =	vadd.s32 s7, v54;
	v54 =	vcvt.f32.s32 v59;
	v40 =	vld.idx.msk [tilespmem:v52+s5+$0x0], $0xffff  }
0x1b0: {  	s26 =	sadd.s32 $0x400, s26;
	s28 =	sadd.s32 $0x80, s28;
	v57 =	vadd.f32 v57, v48;
	v49 =	vmax.f32 v55, $0.0e+00;
	v55 =	vtrunc.f32 v60;
	v50 =	vld.idx.msk [tilespmem:v51+s5+$0x0], $0xffff  }
0x1b1: {  	_ =	sdelay $0x2  }
0x1b2: {  	v48 =	vmul.f32 $7.500000000e+00, v34;
	v58 =	vadd.s32 s10, v58;
	v60 =	vmul.f32 $7.500000000e+00, v28  }
0x1b3: {  	v47 =	vld.idx.msk [tilespmem:v47+s17+$0x0], $0xffff;
	v32 =	vmax.f32 v32, $0.0e+00;
	v54 =	vadd.s32 s7, v54;
	v55 =	vcvt.f32.s32 v55  }
0x1b4: {  	v52 =	vld.idx.msk [tilespmem:v52+s17+$0x0], $0xffff;
	v49 =	vmin.f32 v49, $1.650000000e+01;
	v31 =	vadd.f32 v31, v35;
	v38 =	vadd.f32 v38, v39  }
0x1b5: {  	v51 =	vld.idx.msk [tilespmem:v51+s17+$0x0], $0xffff;
	v22 =	vmul.f32 v41, v22;
	v32 =	vmin.f32 v32, $1.650000000e+01;
	v49 =	vtrunc.f32 v49  }
0x1b6: {  	v37 =	vld.idx.msk [tilespmem:v37+s17+$0x0], $0xffff;
	v48 =	vadd.f32 $8.500000000e+00, v48;
	v59 =	vmul.f32 $7.500000000e+00, v33;
	v60 =	vadd.f32 $8.500000000e+00, v60  }
0x1b7: {  	v62 =	vld.idx.msk [tilespmem:v43+s5+$0x0], $0xffff;
	v32 =	vtrunc.f32 v32;
	v55 =	vadd.s32 s7, v55;
	v49 =	vcvt.f32.s32 v49  }
0x1b8: {  	v43 =	vld.idx.msk [tilespmem:v43+s17+$0x0], $0xffff;
	v22 =	vadd.f32 v36, v22;
	v32 =	vcvt.f32.s32 v32;
	v48 =	vmax.f32 v48, $0.0e+00  }
0x1b9: {  	v59 =	vadd.f32 $8.500000000e+00, v59;
	v60 =	vmax.f32 v60, $0.0e+00;
	v48 =	vmin.f32 v48, $1.650000000e+01;
	v61 =	vld.idx.msk [tilespmem:v58+s17+$0x0], $0xffff  }
0x1ba: {  	v60 =	vmin.f32 v60, $1.650000000e+01;
	v58 =	vld.idx.msk [tilespmem:v58+s5+$0x0], $0xffff;
	v32 =	vadd.s32 s10, v32;
	v48 =	vtrunc.f32 v48  }
0x1bb: {  	v63 =	vld.idx.msk [tilespmem:v54+s17+$0x0], $0xffff;
	v60 =	vtrunc.f32 v60;
	v59 =	vmax.f32 v59, $0.0e+00;
	v48 =	vcvt.f32.s32 v48  }
0x1bc: {  	v39 =	vadd.s32 s7, v49;
	v54 =	vld.idx.msk [tilespmem:v54+s5+$0x0], $0xffff;
	v60 =	vcvt.f32.s32 v60;
	v35 =	vmin.f32 v59, $1.650000000e+01  }
0x1bd: {  	v18 =	vmul.f32 v53, v18;
	v49 =	vld.idx.msk [tilespmem:v55+s5+$0x0], $0xffff;
	v35 =	vtrunc.f32 v35;
	v48 =	vadd.s32 s7, v48  }
0x1be: {  	v45 =	vmax.f32 v45, $0.0e+00;
	[tilespmem:s3+$0x14E50] =	vst v22;
	v22 =	vld.idx.msk [tilespmem:v55+s17+$0x0], $0xffff;
	v59 =	vadd.s32 s7, v60;
	v35 =	vcvt.f32.s32 v35  }
0x1bf: {  	[tilespmem:s14+$0x14E00] =	vst v56;
	v21 =	vmul.f32 v44, v21;
	v18 =	vadd.f32 v42, v18;
	v60 =	vmin.f32 v45, $1.650000000e+01;
	v56 =	vld.idx.msk [tilespmem:v32+s17+$0x0], $0xffff  }
0x1c0: {  	[tilespmem:s14+$0x14E70] =	vst v57;
	v20 =	vmul.f32 v40, v20;
	v32 =	vld.idx.msk [tilespmem:v32+s5+$0x0], $0xffff;
	v41 =	vtrunc.f32 v60;
	v35 =	vadd.s32 s7, v35  }
0x1c1: {  	[tilespmem:s14+$0x14E20] =	vst v18;
	v18 =	vadd.f32 v47, v21;
	v21 =	vmul.f32 v58, v23;
	v23 =	vld.idx.msk [tilespmem:v39+s5+$0x0], $0xffff;
	v45 =	vcvt.f32.s32 v41  }
0x1c2: {  	[tilespmem:s14+$0x14E30] =	vst v31;
	v31 =	vld.idx.msk [tilespmem:v48+s5+$0x0], $0xffff  }
0x1c3: {  	v25 =	vmul.f32 v46, v25;
	[tilespmem:s3+$0x14E40] =	vst v38;
	v20 =	vadd.f32 v52, v20;
	v38 =	vadd.s32 s7, v45;
	v44 =	vld.idx.msk [tilespmem:v59+s5+$0x0], $0xffff  }
0x1c4: {  	v17 =	vmul.f32 v50, v17;
	[tilespmem:s3+$0x14E60] =	vst v18;
	v18 =	vadd.f32 v61, v21;
	v21 =	vld.idx.msk [tilespmem:v59+s17+$0x0], $0xffff  }
0x1c5: {  	v25 =	vadd.f32 v37, v25;
	[tilespmem:s3+$0x14E10] =	vst v20;
	v20 =	vmul.f32 v62, v26;
	v26 =	vld.idx.msk [tilespmem:v35+s5+$0x0], $0xffff  }
0x1c6: {  	v17 =	vadd.f32 v51, v17;
	[tilespmem:s3+$0x14E00] =	vst v18;
	v18 =	vmul.f32 v32, v19;
	v19 =	vld.idx.msk [tilespmem:v48+s17+$0x0], $0xffff  }
0x1c7: {  	[tilespmem:s3+$0x14E70] =	vst v25;
	v20 =	vadd.f32 v43, v20;
	v27 =	vmul.f32 v54, v27;
	v25 =	vld.idx.msk [tilespmem:v35+s17+$0x0], $0xffff  }
0x1c8: {  	[tilespmem:s3+$0x14E30] =	vst v17;
	v24 =	vmul.f32 v49, v24;
	v18 =	vadd.f32 v56, v18;
	v17 =	vld.idx.msk [tilespmem:v38+s5+$0x0], $0xffff  }
0x1c9: {  	v47 =	vld.idx.msk [tilespmem:v39+s17+$0x0], $0xffff;
	[tilespmem:s6+$0x14E40] =	vst v20;
	v27 =	vadd.f32 v63, v27;
	v20 =	vmul.f32 v44, v28  }
0x1ca: {  	[tilespmem:s3+$0x14E20] =	vst v18;
	v18 =	vadd.f32 v22, v24;
	v24 =	vld.idx.msk [tilespmem:v38+s17+$0x0], $0xffff;
	v22 =	vmul.f32 v26, v33  }
0x1cb: {  	[tilespmem:s6+$0x14E50] =	vst v27;
	v26 =	vmul.f32 v31, v34;
	v20 =	vadd.f32 v21, v20  }
0x1cc: {  	v21 =	vmul.f32 v23, v29;
	[tilespmem:s6+$0x14E60] =	vst v18;
	v18 =	vadd.f32 v25, v22  }
0x1cd: {  	[tilespmem:s6+$0x14E10] =	vst v20;
	v19 =	vadd.f32 v19, v26;
	v17 =	vmul.f32 v17, v30  }
0x1ce: {  	[tilespmem:s6+$0x14E00] =	vst v18;
	v18 =	vadd.f32 v47, v21  }
0x1cf: {  	[tilespmem:s6+$0x14E70] =	vst v19;
	v17 =	vadd.f32 v24, v17  }
0x1d0: {  	s18 =	sshll.u32 s13, $0x7;
	s0 =	sadd.s32 @!p1 s0, s12;
	[tilespmem:s6+$0x14E30] =	vst v18  }
0x1d1: {  	s0 =	sshrl.u32 @!p1 s0, $0x3;
	s3 =	sadd.s32 s4, s18;
	[tilespmem:s6+$0x14E20] =	vst v17  }
0x1d2: {  	[hbm4b:s3+s5] =	stream.linear.scatter [tilespmem:s22], [sflag:$0x5], $0x4000, $0x38;
	[tilespmem:$0x1CE00] =	vst v63  }
0x1d3: {  	s0 =	sadd.s32 @!p1 s1, s0;
	s6 =	simm.s32 @!p1 $0x8E00;
	s3 =	simm.s32 @!p1 $0x0  }
0x1d4: {  	[tilespmem:s6], [sflag:$0x2] =	stream.linear.gather @!p1 [hbm4b:s0+s3], $0x4000, $0x38;
	[tilespmem:$0x1CE00] =	vst v63  }
0x1d5: {  	_ =	swait.ge [sflag:s23], $0x4000  }
0x1d6: {  	s20 =	simm.s32 $0x0;
	[sflag:s23] =	ssyncset.done $0x0  }
0x1d7: {  	s26 =	simm.s32 $0x0;
	s0 =	simm.s32 @!p0 $0x6;
	[sflag:s23] =	ssyncadd.s32 $0xFFFFC000  }
0x1d8: {  	s25 =	sand.u32 $0x2000, s20;
	s3 =	sand.u32 $0x1C00, s20;
	_ =	swait.ge @!p0 [sflag:s0], $0x4000  }
0x1d9: {  	s28 =	sand.u32 $0x380, s26;
	s3 =	sor.u32 s3, s25;
	[sflag:s0] =	ssyncset.done @!p0 $0x0  }
0x1da: {  	[sflag:s0] =	ssyncadd.s32 @!p0 $0xFFFFC000;
	s0 =	sor.u32 s28, s3  }
0x1db: {  	v23 =	vld [tilespmem:s0+$0xCE40]  }
0x1dc: {  	v24 =	vld [tilespmem:s0+$0xCE60]  }
0x1dd: {  	v26 =	vld [tilespmem:s0+$0xCE50]  }
0x1de: {  	v27 =	vld [tilespmem:s0+$0xCE30]  }
0x1df: {  	s13 =	sshll.u32 s2, $0x4;
	v29 =	vld [tilespmem:s0+$0xCE70]  }
0x1e0: {  	s2 =	smulhi.u32 $0x2AAAAAAB, s13;
	v33 =	vld [tilespmem:s0+$0xCE00]  }
0x1e1: {  	v18 =	vld [tilespmem:s0+$0xCE20]  }
0x1e2: {  	s2 =	sshrl.u32 s2, $0x6;
	v17 =	vmul.f32 $7.500000000e+00, v23  }
0x1e3: {  	s2 =	smul.u32 $0x180, s2;
	v19 =	vmul.f32 $7.500000000e+00, v26;
	v20 =	vmul.f32 $7.500000000e+00, v24  }
0x1e4: {  	v21 =	vmul.f32 $7.500000000e+00, v27;
	v25 =	vmul.f32 $7.500000000e+00, v29;
	v17 =	vadd.f32 $8.500000000e+00, v17  }
0x1e5: {  	s15 =	simm.s32 $0x80;
	s6 =	ssub.s32 s13, s2;
	v31 =	vmul.f32 $7.500000000e+00, v33;
	v19 =	vadd.f32 $8.500000000e+00, v19;
	v20 =	vadd.f32 $8.500000000e+00, v20  }
0x1e6: {  	s16 =	simm.s32 $0x10;
	s14 =	simm.s32 $0x400;
	s2 =	sadd.s32 $0x0, s6;
	v22 =	vadd.f32 $8.500000000e+00, v21;
	v21 =	vmul.f32 $7.500000000e+00, v18;
	v25 =	vadd.f32 $8.500000000e+00, v25  }
0x1e7: {  	s29 =	smul.u32 $0x11, s2;
	s2 =	sand.u32 $0x1C00, s14;
	s3 =	sand.u32 $0x2000, s15;
	v17 =	vmax.f32 v17, $0.0e+00;
	v19 =	vmax.f32 v19, $0.0e+00;
	v20 =	vmax.f32 v20, $0.0e+00  }
0x1e8: {  	s18 =	sand.u32 $0x380, s16;
	s2 =	sor.u32 s2, s3;
	v48 =	vmax.f32 v22, $0.0e+00;
	v22 =	vmax.f32 v25, $0.0e+00;
	v17 =	vmin.f32 v17, $1.650000000e+01  }
0x1e9: {  	v28 =	vld [tilespmem:s0+$0xCE10];
	s2 =	sor.u32 s18, s2;
	v25 =	vadd.f32 $8.500000000e+00, v31;
	v19 =	vmin.f32 v19, $1.650000000e+01;
	v17 =	vtrunc.f32 v17  }
0x1ea: {  	v36 =	vld [tilespmem:s2+$0xCE40];
	v20 =	vmin.f32 v20, $1.650000000e+01;
	v19 =	vtrunc.f32 v19;
	v17 =	vcvt.f32.s32 v17  }
0x1eb: {  	v31 =	vmin.f32 v22, $1.650000000e+01;
	v32 =	vmin.f32 v48, $1.650000000e+01;
	v19 =	vcvt.f32.s32 v19  }
0x1ec: {  	v20 =	vtrunc.f32 v20;
	v31 =	vtrunc.f32 v31;
	v30 =	vadd.s32 s29, v17  }
0x1ed: {  	v22 =	vld [tilespmem:s2+$0xCE50];
	v51 =	vadd.s32 s29, v19;
	v19 =	vmax.f32 v25, $0.0e+00;
	v25 =	vcvt.f32.s32 v20  }
0x1ee: {  	v34 =	vadd.f32 $8.500000000e+00, v21;
	v21 =	vld [tilespmem:s2+$0xCE60];
	v32 =	vtrunc.f32 v32;
	v17 =	vmul.f32 $7.500000000e+00, v28  }
0x1ef: {  	v31 =	vcvt.f32.s32 v31;
	v20 =	vld [tilespmem:s2+$0xCE10];
	v39 =	vadd.s32 s29, v25;
	v25 =	vmul.f32 $7.500000000e+00, v36  }
0x1f0: {  	v34 =	vmax.f32 v34, $0.0e+00;
	v52 =	vmin.f32 v19, $1.650000000e+01;
	v19 =	vld [tilespmem:s2+$0xCE20];
	v17 =	vadd.f32 $8.500000000e+00, v17  }
0x1f1: {  	v34 =	vmin.f32 v34, $1.650000000e+01;
	v41 =	vadd.s32 s29, v31;
	v54 =	vadd.f32 $8.500000000e+00, v25;
	v25 =	vld [tilespmem:s2+$0xCE70]  }
0x1f2: {  	v31 =	vcvt.f32.s32 v32;
	v53 =	vmul.f32 $7.500000000e+00, v22;
	v17 =	vmax.f32 v17, $0.0e+00;
	v49 =	vld.idx.msk [tilespmem:v30+s5+$0x0], $0xffff  }
0x1f3: {  	v34 =	vtrunc.f32 v34;
	v40 =	vtrunc.f32 v52;
	v50 =	vmin.f32 v17, $1.650000000e+01;
	v17 =	vld [tilespmem:s2+$0xCE30]  }
0x1f4: {  	v31 =	vadd.s32 s29, v31;
	v32 =	vadd.f32 $8.500000000e+00, v53;
	v40 =	vcvt.f32.s32 v40;
	v30 =	vld.idx.msk [tilespmem:v30+s17+$0x0], $0xffff  }
0x1f5: {  	v34 =	vcvt.f32.s32 v34;
	v42 =	vld.idx.msk [tilespmem:v51+s17+$0x0], $0xffff  }
0x1f6: {  	v38 =	vld.idx.msk [tilespmem:v51+s5+$0x0], $0xffff;
	v32 =	vmax.f32 v32, $0.0e+00;
	v40 =	vadd.s32 s29, v40;
	v51 =	vmul.f32 $7.500000000e+00, v20  }
0x1f7: {  	v58 =	vld.idx.msk [tilespmem:v41+s5+$0x0], $0xffff;
	v37 =	vtrunc.f32 v50;
	v59 =	vmul.f32 $7.500000000e+00, v19;
	v32 =	vmin.f32 v32, $1.650000000e+01  }
0x1f8: {  	v43 =	vmax.f32 v54, $0.0e+00;
	v37 =	vcvt.f32.s32 v37;
	v46 =	vld.idx.msk [tilespmem:v39+s5+$0x0], $0xffff;
	v61 =	vtrunc.f32 v32  }
0x1f9: {  	v62 =	vld.idx.msk [tilespmem:v31+s5+$0x0], $0xffff;
	v32 =	vadd.f32 $8.500000000e+00, v59;
	v35 =	vmul.f32 v49, v23;
	v23 =	vmul.f32 $7.500000000e+00, v21  }
0x1fa: {  	v39 =	vld.idx.msk [tilespmem:v39+s17+$0x0], $0xffff;
	v37 =	vadd.s32 s29, v37;
	v63 =	vmul.f32 $7.500000000e+00, v25;
	v55 =	vmul.f32 $7.500000000e+00, v17  }
0x1fb: {  	s26 =	simm.s32 $0x100;
	s20 =	sadd.s32 $0x0, s6;
	s25 =	simm.s32 $0x800;
	v31 =	vld.idx.msk [tilespmem:v31+s17+$0x0], $0xffff;
	v49 =	vcvt.f32.s32 v61;
	v56 =	vadd.f32 $8.500000000e+00, v23;
	v23 =	vmin.f32 v43, $1.650000000e+01  }
0x1fc: {  	s14 =	sand.u32 $0x2000, s26;
	s15 =	simm.s32 $0x20;
	s3 =	sand.u32 $0x1C00, s25;
	v59 =	vld.idx.msk [tilespmem:v41+s17+$0x0], $0xffff;
	v26 =	vmul.f32 v38, v26;
	v38 =	vadd.f32 $8.500000000e+00, v51;
	v23 =	vtrunc.f32 v23  }
0x1fd: {  	s10 =	smul.u32 $0x11, s20;
	s28 =	sand.u32 $0x380, s15;
	s3 =	sor.u32 s3, s14;
	v57 =	vadd.f32 $8.500000000e+00, v55;
	v54 =	vadd.f32 v30, v35;
	v60 =	vcvt.f32.s32 v23;
	v23 =	vld [tilespmem:s2+$0xCE00]  }
0x1fe: {  	s3 =	sor.u32 s28, s3;
	v48 =	vld.idx.msk [tilespmem:v40+s17+$0x0], $0xffff;
	v30 =	vadd.f32 $8.500000000e+00, v63;
	v46 =	vmul.f32 v46, v24;
	v55 =	vadd.f32 v42, v26  }
0x1ff: {  	v26 =	vld [tilespmem:s3+$0xCE40];
	v35 =	vmul.f32 v62, v27;
	v41 =	vadd.s32 s10, v49;
	v45 =	vmax.f32 v56, $0.0e+00  }
0x200: {  	v27 =	vld [tilespmem:s3+$0xCE50];
	v43 =	vmax.f32 v57, $0.0e+00;
	v57 =	vmul.f32 v58, v29;
	v30 =	vmax.f32 v30, $0.0e+00  }
0x201: {  	v50 =	vld.idx.msk [tilespmem:v37+s5+$0x0], $0xffff;
	v45 =	vmin.f32 v45, $1.650000000e+01;
	v30 =	vmin.f32 v30, $1.650000000e+01;
	v47 =	vadd.s32 s10, v60  }
0x202: {  	v40 =	vld.idx.msk [tilespmem:v40+s5+$0x0], $0xffff;
	v56 =	vmin.f32 v43, $1.650000000e+01;
	v45 =	vtrunc.f32 v45;
	v29 =	vmul.f32 $7.500000000e+00, v23  }
0x203: {  	v52 =	vld.idx.msk [tilespmem:v37+s17+$0x0], $0xffff;
	v30 =	vtrunc.f32 v30;
	v60 =	vadd.f32 v39, v46;
	v61 =	vtrunc.f32 v56  }
0x204: {  	v24 =	vld [tilespmem:s3+$0xCE60];
	v30 =	vcvt.f32.s32 v30;
	v62 =	vmul.f32 $7.500000000e+00, v26;
	v29 =	vadd.f32 $8.500000000e+00, v29  }
0x205: {  	v46 =	vadd.s32 s29, v34;
	v34 =	vld [tilespmem:s3+$0xCE70];
	v45 =	vcvt.f32.s32 v45;
	v63 =	vmul.f32 $7.500000000e+00, v27  }
0x206: {  	v53 =	vmul.f32 v50, v28;
	v56 =	vadd.f32 $8.500000000e+00, v62;
	v39 =	vld.idx.msk [tilespmem:v47+s5+$0x0], $0xffff;
	v29 =	vmax.f32 v29, $0.0e+00  }
0x207: {  	v28 =	vld [tilespmem:s3+$0xCE10];
	v62 =	vadd.f32 $8.500000000e+00, v63;
	v42 =	vmin.f32 v29, $1.650000000e+01;
	v29 =	vmax.f32 v38, $0.0e+00  }
0x208: {  	v37 =	vadd.s32 s10, v30;
	v49 =	vadd.f32 v52, v53;
	v38 =	vmin.f32 v29, $1.650000000e+01;
	v29 =	vld [tilespmem:s3+$0xCE30]  }
0x209: {  	v53 =	vmax.f32 v62, $0.0e+00;
	v30 =	vtrunc.f32 v38;
	v38 =	vld.idx.msk [tilespmem:v47+s17+$0x0], $0xffff;
	v47 =	vadd.s32 s10, v45  }
0x20a: {  	v33 =	vmul.f32 v40, v33;
	v62 =	vmin.f32 v53, $1.650000000e+01;
	v53 =	vld.idx.msk [tilespmem:v46+s5+$0x0], $0xffff  }
0x20b: {  	v39 =	vmul.f32 v39, v36;
	v36 =	vld.idx.msk [tilespmem:v41+s17+$0x0], $0xffff;
	v58 =	vcvt.f32.s32 v30  }
0x20c: {  	v57 =	vadd.f32 v59, v57;
	v44 =	vcvt.f32.s32 v61;
	v63 =	vmax.f32 v56, $0.0e+00;
	v30 =	vld [tilespmem:s3+$0xCE20]  }
0x20d: {  	v40 =	vmin.f32 v63, $1.650000000e+01;
	v41 =	vld.idx.msk [tilespmem:v41+s5+$0x0], $0xffff;
	v52 =	vadd.s32 s10, v58;
	v58 =	vmul.f32 $7.500000000e+00, v24  }
0x20e: {  	v51 =	vadd.s32 s10, v44;
	v40 =	vtrunc.f32 v40;
	v61 =	vmul.f32 $7.500000000e+00, v29;
	v44 =	vld.idx.msk [tilespmem:v47+s5+$0x0], $0xffff  }
0x20f: {  	s29 =	sadd.s32 $0x0, s6;
	v62 =	vtrunc.f32 v62;
	v56 =	vadd.f32 $8.500000000e+00, v58;
	v58 =	vtrunc.f32 v42;
	v42 =	vld.idx.msk [tilespmem:v46+s17+$0x0], $0xffff  }
0x210: {  	[tilespmem:s0+$0x18E40] =	vst v54;
	s7 =	smul.u32 $0x11, s29;
	v40 =	vcvt.f32.s32 v40;
	v54 =	vcvt.f32.s32 v62;
	v46 =	vld.idx.msk [tilespmem:v37+s5+$0x0], $0xffff;
	v50 =	vadd.f32 $8.500000000e+00, v61  }
0x211: {  	[tilespmem:s0+$0x18E50] =	vst v55;
	v61 =	vmul.f32 $7.500000000e+00, v30;
	v43 =	vmax.f32 v56, $0.0e+00;
	v56 =	vadd.f32 v48, v33;
	v33 =	vld [tilespmem:s3+$0xCE00]  }
0x212: {  	s13 =	sadd.s32 s9, s13;
	[tilespmem:s0+$0x18E60] =	vst v60;
	v58 =	vcvt.f32.s32 v58;
	v63 =	vmin.f32 v43, $1.650000000e+01;
	v43 =	vadd.s32 s7, v40;
	v40 =	vld.idx.msk [tilespmem:v52+s5+$0x0], $0xffff  }
0x213: {  	s15 =	simm.s32 $0xC00;
	s25 =	simm.s32 $0x180;
	s14 =	simm.s32 $0x10;
	[tilespmem:s0+$0x18E10] =	vst v49;
	v45 =	vadd.f32 $8.500000000e+00, v61;
	v49 =	vmax.f32 v50, $0.0e+00;
	v50 =	vld.idx.msk [tilespmem:v51+s5+$0x0], $0xffff;
	v55 =	vtrunc.f32 v63  }
.LBB2_9:
0x214: {  	s14 =	sadd.s32 $0x8, s14;
	s16 =	sand.u32 $0x2000, s25;
	s18 =	sand.u32 $0x1C00, s15;
	v48 =	vmul.f32 $7.500000000e+00, v34;
	v58 =	vadd.s32 s10, v58;
	v47 =	vld.idx.msk [tilespmem:v47+s17+$0x0], $0xffff;
	[tilespmem:s0+$0x18E00] =	vst v56;
	v35 =	vadd.f32 v31, v35  }
0x215: {  	v38 =	vadd.f32 v38, v39;
	v56 =	vmul.f32 v41, v22;
	v18 =	vmul.f32 v53, v18;
	s20 =	sshrl.u32 s14, $0x6;
	s18 =	sor.u32 s18, s16;
	s26 =	sshll.u32 s14, $0x1;
	v52 =	vld.idx.msk [tilespmem:v52+s17+$0x0], $0xffff  }
0x216: {  	v41 =	vmul.f32 v44, v21;
	p0 =	slt.u32 s14, $0x3F8;
	s16 =	sadd.s32 s6, s20;
	s20 =	sand.u32 $0x380, s26;
	v39 =	vadd.f32 $8.500000000e+00, v48;
	v31 =	vld.idx.msk [tilespmem:v51+s17+$0x0], $0xffff;
	v48 =	vmul.f32 v46, v25;
	[tilespmem:s0+$0x18E70] =	vst v57  }
0x217: {  	v51 =	vmul.f32 $7.500000000e+00, v33;
	v36 =	vadd.f32 v36, v56;
	v44 =	vadd.f32 v42, v18;
	s18 =	sor.u32 s20, s18;
	v57 =	vld.idx.msk [tilespmem:v37+s17+$0x0], $0xffff;
	[tilespmem:s0+$0x18E30] =	vst v35  }
0x218: {  	v32 =	vmax.f32 v32, $0.0e+00;
	v21 =	vmovc v24;
	v22 =	vmovc v27;
	v37 =	vmul.f32 $7.500000000e+00, v28;
	v35 =	vmax.f32 v39, $0.0e+00;
	[tilespmem:s2+$0x18E40] =	vst v38;
	v24 =	vld [tilespmem:s18+$0xCE60]  }
0x219: {  	v38 =	vadd.f32 $8.500000000e+00, v51;
	v18 =	vmovc v19;
	v42 =	vld [tilespmem:s18+$0xCE40];
	v46 =	vmin.f32 v35, $1.650000000e+01;
	v35 =	vmul.f32 v50, v17;
	[tilespmem:s0+$0x18E20] =	vst v44;
	v17 =	vmovc v29;
	s0 =	smov.u32 s2;
	s2 =	smov.u32 s3;
	s3 =	smov.u32 s18  }
0x21a: {  	v25 =	vmovc v34;
	v39 =	vmin.f32 v32, $1.650000000e+01;
	v19 =	vmovc v30;
	v29 =	vadd.f32 $8.500000000e+00, v37;
	v27 =	vld [tilespmem:s3+$0xCE50];
	v37 =	vtrunc.f32 v46;
	[tilespmem:s0+$0x18E50] =	vst v36  }
0x21b: {  	v32 =	vmovc v45;
	v30 =	vmax.f32 v38, $0.0e+00;
	v36 =	vadd.f32 v47, v41;
	v34 =	vcvt.f32.s32 v37;
	v50 =	vld.idx.msk [tilespmem:v58+s17+$0x0], $0xffff  }
0x21c: {  	v44 =	vmin.f32 v30, $1.650000000e+01;
	v29 =	vmax.f32 v29, $0.0e+00;
	v30 =	vtrunc.f32 v39;
	v41 =	vld.idx.msk [tilespmem:v43+s5+$0x0], $0xffff  }
0x21d: {  	v45 =	vadd.s32 s7, v54;
	v39 =	vmul.f32 v40, v20;
	v20 =	vmovc v28;
	v38 =	vmin.f32 v29, $1.650000000e+01;
	v46 =	vld.idx.msk [tilespmem:v58+s5+$0x0], $0xffff;
	[tilespmem:s0+$0x18E60] =	vst v36  }
0x21e: {  	v36 =	vcvt.f32.s32 v55;
	v37 =	vadd.s32 s7, v34;
	v34 =	vcvt.f32.s32 v30;
	v29 =	vld [tilespmem:s3+$0xCE30]  }
0x21f: {  	v30 =	vtrunc.f32 v38;
	v38 =	vmin.f32 v49, $1.650000000e+01;
	v39 =	vadd.f32 v52, v39;
	v28 =	vld [tilespmem:s3+$0xCE10]  }
0x220: {  	v40 =	vcvt.f32.s32 v30;
	v49 =	vtrunc.f32 v38;
	v47 =	vadd.s32 s7, v36;
	v38 =	vld.idx.msk [tilespmem:v43+s17+$0x0], $0xffff  }
0x221: {  	v49 =	vcvt.f32.s32 v49;
	v53 =	vadd.s32 s10, v34;
	s10 =	smov.u32 s7;
	v43 =	vmul.f32 $7.500000000e+00, v42;
	v30 =	vld [tilespmem:s3+$0xCE20];
	[tilespmem:s0+$0x18E10] =	vst v39  }
0x222: {  	v34 =	vmul.f32 $7.500000000e+00, v27;
	v52 =	vadd.s32 s10, v40;
	v39 =	vmul.f32 v41, v26;
	v26 =	vmovc v42;
	v36 =	vld.idx.msk [tilespmem:v45+s17+$0x0], $0xffff  }
0x223: {  	v42 =	vmul.f32 $7.500000000e+00, v24;
	v51 =	vadd.s32 s10, v49;
	v40 =	vadd.f32 $8.500000000e+00, v43;
	v41 =	vld.idx.msk [tilespmem:v45+s5+$0x0], $0xffff  }
0x224: {  	v49 =	vmul.f32 v46, v23;
	v23 =	vmovc v33;
	v43 =	vmul.f32 $7.500000000e+00, v29;
	v45 =	vadd.f32 $8.500000000e+00, v34;
	v34 =	vld [tilespmem:s3+$0xCE70]  }
0x225: {  	v46 =	vtrunc.f32 v44;
	v33 =	vmax.f32 v40, $0.0e+00;
	v40 =	vadd.f32 $8.500000000e+00, v42;
	v44 =	vld.idx.msk [tilespmem:v47+s5+$0x0], $0xffff  }
0x226: {  	v55 =	vadd.f32 $8.500000000e+00, v43;
	v33 =	vmin.f32 v33, $1.650000000e+01;
	v43 =	vmax.f32 v45, $0.0e+00;
	v42 =	vld.idx.msk [tilespmem:v53+s17+$0x0], $0xffff  }
.Ltmp3:
0x227: {  	v45 =	vmul.f32 $7.500000000e+00, v30;
	v33 =	vtrunc.f32 v33;
	v43 =	vmin.f32 v43, $1.650000000e+01;
	v53 =	vld.idx.msk [tilespmem:v53+s5+$0x0], $0xffff;
	(pc) =	sbr.rel @p0 .LBB2_9-.Ltmp3, $4  }
0x228: {  	s7 =	smul.u32 $0x11, s16;
	v58 =	vcvt.f32.s32 v46;
	v40 =	vmax.f32 v40, $0.0e+00;
	v54 =	vcvt.f32.s32 v33;
	v46 =	vld.idx.msk [tilespmem:v37+s5+$0x0], $0xffff  }
0x229: {  	v56 =	vadd.f32 v50, v49;
	v59 =	vtrunc.f32 v43;
	v60 =	vmin.f32 v40, $1.650000000e+01;
	v33 =	vld [tilespmem:s3+$0xCE00]  }
0x22a: {  	v45 =	vadd.f32 $8.500000000e+00, v45;
	v43 =	vadd.s32 s7, v54;
	v54 =	vcvt.f32.s32 v59;
	v40 =	vld.idx.msk [tilespmem:v52+s5+$0x0], $0xffff  }
0x22b: {  	s15 =	sadd.s32 $0x400, s15;
	s25 =	sadd.s32 $0x80, s25;
	v57 =	vadd.f32 v57, v48;
	v49 =	vmax.f32 v55, $0.0e+00;
	v55 =	vtrunc.f32 v60;
	v50 =	vld.idx.msk [tilespmem:v51+s5+$0x0], $0xffff  }
0x22c: {  	_ =	sdelay $0x1  }
0x22d: {  	v48 =	vmul.f32 $7.500000000e+00, v34  }
0x22e: {  	v58 =	vadd.s32 s10, v58;
	v60 =	vmul.f32 $7.500000000e+00, v28;
	v32 =	vmax.f32 v32, $0.0e+00  }
0x22f: {  	v47 =	vld.idx.msk [tilespmem:v47+s17+$0x0], $0xffff;
	v54 =	vadd.s32 s7, v54;
	v55 =	vcvt.f32.s32 v55;
	v49 =	vmin.f32 v49, $1.650000000e+01  }
0x230: {  	v52 =	vld.idx.msk [tilespmem:v52+s17+$0x0], $0xffff;
	v31 =	vadd.f32 v31, v35;
	v38 =	vadd.f32 v38, v39;
	v18 =	vmul.f32 v53, v18  }
0x231: {  	v51 =	vld.idx.msk [tilespmem:v51+s17+$0x0], $0xffff;
	v21 =	vmul.f32 v44, v21;
	v32 =	vmin.f32 v32, $1.650000000e+01;
	v49 =	vtrunc.f32 v49  }
0x232: {  	v37 =	vld.idx.msk [tilespmem:v37+s17+$0x0], $0xffff;
	v48 =	vadd.f32 $8.500000000e+00, v48;
	v59 =	vmul.f32 $7.500000000e+00, v33;
	v60 =	vadd.f32 $8.500000000e+00, v60  }
0x233: {  	v62 =	vld.idx.msk [tilespmem:v43+s5+$0x0], $0xffff;
	v32 =	vtrunc.f32 v32;
	v55 =	vadd.s32 s7, v55;
	v49 =	vcvt.f32.s32 v49  }
0x234: {  	v43 =	vld.idx.msk [tilespmem:v43+s17+$0x0], $0xffff;
	v32 =	vcvt.f32.s32 v32;
	v48 =	vmax.f32 v48, $0.0e+00;
	v59 =	vadd.f32 $8.500000000e+00, v59  }
0x235: {  	v60 =	vmax.f32 v60, $0.0e+00;
	v39 =	vadd.s32 s7, v49;
	v48 =	vmin.f32 v48, $1.650000000e+01;
	v61 =	vld.idx.msk [tilespmem:v58+s17+$0x0], $0xffff  }
0x236: {  	v60 =	vmin.f32 v60, $1.650000000e+01;
	v58 =	vld.idx.msk [tilespmem:v58+s5+$0x0], $0xffff;
	v32 =	vadd.s32 s10, v32;
	v48 =	vtrunc.f32 v48  }
0x237: {  	v63 =	vld.idx.msk [tilespmem:v54+s17+$0x0], $0xffff;
	v60 =	vtrunc.f32 v60;
	v59 =	vmax.f32 v59, $0.0e+00;
	v48 =	vcvt.f32.s32 v48  }
0x238: {  	v18 =	vadd.f32 v42, v18;
	v54 =	vld.idx.msk [tilespmem:v54+s5+$0x0], $0xffff;
	v60 =	vcvt.f32.s32 v60;
	v35 =	vmin.f32 v59, $1.650000000e+01  }
0x239: {  	v45 =	vmax.f32 v45, $0.0e+00;
	v49 =	vld.idx.msk [tilespmem:v55+s5+$0x0], $0xffff;
	v35 =	vtrunc.f32 v35;
	v48 =	vadd.s32 s7, v48  }
0x23a: {  	[tilespmem:s0+$0x18E20] =	vst v18;
	v18 =	vadd.f32 v47, v21;
	v47 =	vld.idx.msk [tilespmem:v55+s17+$0x0], $0xffff;
	v59 =	vadd.s32 s7, v60;
	v35 =	vcvt.f32.s32 v35  }
0x23b: {  	[tilespmem:s0+$0x18E00] =	vst v56;
	v22 =	vmul.f32 v41, v22;
	v60 =	vmin.f32 v45, $1.650000000e+01;
	v45 =	vld.idx.msk [tilespmem:v39+s5+$0x0], $0xffff  }
0x23c: {  	[tilespmem:s0+$0x18E70] =	vst v57;
	v53 =	vld.idx.msk [tilespmem:v32+s17+$0x0], $0xffff;
	v41 =	vtrunc.f32 v60;
	v35 =	vadd.s32 s7, v35  }
0x23d: {  	[tilespmem:s0+$0x18E30] =	vst v31;
	v22 =	vadd.f32 v36, v22;
	v20 =	vmul.f32 v40, v20;
	v32 =	vld.idx.msk [tilespmem:v32+s5+$0x0], $0xffff;
	v42 =	vcvt.f32.s32 v41  }
0x23e: {  	[tilespmem:s2+$0x18E40] =	vst v38;
	v44 =	vmul.f32 v58, v23;
	v31 =	vld.idx.msk [tilespmem:v48+s5+$0x0], $0xffff  }
0x23f: {  	v25 =	vmul.f32 v46, v25;
	[tilespmem:s2+$0x18E50] =	vst v22;
	v20 =	vadd.f32 v52, v20;
	v38 =	vadd.s32 s7, v42;
	v40 =	vld.idx.msk [tilespmem:v59+s5+$0x0], $0xffff  }
0x240: {  	v17 =	vmul.f32 v50, v17;
	[tilespmem:s2+$0x18E60] =	vst v18;
	v18 =	vadd.f32 v61, v44;
	v52 =	vld.idx.msk [tilespmem:v59+s17+$0x0], $0xffff  }
0x241: {  	v25 =	vadd.f32 v37, v25;
	[tilespmem:s2+$0x18E10] =	vst v20;
	v55 =	vmul.f32 v62, v26;
	v56 =	vld.idx.msk [tilespmem:v35+s5+$0x0], $0xffff  }
0x242: {  	v17 =	vadd.f32 v51, v17;
	[tilespmem:s2+$0x18E00] =	vst v18;
	v18 =	vmul.f32 v32, v19;
	v19 =	vld.idx.msk [tilespmem:v48+s17+$0x0], $0xffff  }
0x243: {  	[tilespmem:s2+$0x18E70] =	vst v25;
	v20 =	vadd.f32 v43, v55;
	v27 =	vmul.f32 v54, v27;
	v57 =	vld.idx.msk [tilespmem:v35+s17+$0x0], $0xffff  }
0x244: {  	[tilespmem:s2+$0x18E30] =	vst v17;
	v24 =	vmul.f32 v49, v24;
	v18 =	vadd.f32 v53, v18;
	v17 =	vld.idx.msk [tilespmem:v38+s5+$0x0], $0xffff  }
0x245: {  	v58 =	vld.idx.msk [tilespmem:v39+s17+$0x0], $0xffff;
	[tilespmem:s3+$0x18E40] =	vst v20;
	v27 =	vadd.f32 v63, v27;
	v59 =	vmul.f32 v40, v28  }
0x246: {  	v61 =	vld.idx.msk [tilespmem:v38+s17+$0x0], $0xffff;
	[tilespmem:s2+$0x18E20] =	vst v18;
	v18 =	vadd.f32 v47, v24;
	v60 =	vmul.f32 v56, v33  }
0x247: {  	[tilespmem:s3+$0x18E50] =	vst v27;
	v62 =	vmul.f32 v31, v34;
	v20 =	vadd.f32 v52, v59  }
0x248: {  	s31 =	sadd.s32 $0x1, s31;
	v63 =	vmul.f32 v45, v29;
	[tilespmem:s3+$0x18E60] =	vst v18;
	v18 =	vadd.f32 v57, v60  }
0x249: {  	p0 =	sne.s32 s31, $0x10;
	v19 =	vadd.f32 v19, v62;
	[tilespmem:s3+$0x18E10] =	vst v20;
	v17 =	vmul.f32 v17, v30  }
.Ltmp4:
0x24a: {  	[tilespmem:s3+$0x18E00] =	vst v18;
	v18 =	vadd.f32 v58, v63;
	(pc) =	sbr.rel @p0 .LBB2_4-.Ltmp4, $4  }
0x24b: {  	[tilespmem:s3+$0x18E70] =	vst v19;
	v17 =	vadd.f32 v61, v17  }
0x24c: {  	s29 =	sshll.u32 s13, $0x7;
	[tilespmem:s3+$0x18E30] =	vst v18  }
0x24d: {  	s0 =	sadd.s32 s4, s29;
	[tilespmem:s3+$0x18E20] =	vst v17  }
0x24e: {  	[hbm4b:s0+s5] =	stream.linear.scatter [tilespmem:s24], [sflag:$0x6], $0x4000, $0x38;
	[tilespmem:$0x1CE00] =	vst v63  }
0x24f: {  	s0 =	simm.s32 $0x4  }
0x250: {  	_ =	swait.ge [sflag:s0], $0x4000  }
0x251: {  	[sflag:s0] =	ssyncset.done $0x0  }
0x252: {  	s29 =	simm.s32 $0x5;
	[sflag:s0] =	ssyncadd.s32 $0xFFFFC000  }
0x253: {  	_ =	swait.ge [sflag:s29], $0x4000  }
0x254: {  	[sflag:s29] =	ssyncset.done $0x0  }
0x255: {  	s2 =	simm.s32 $0x6;
	[sflag:s29] =	ssyncadd.s32 $0xFFFFC000  }
0x256: {  	_ =	swait.ge [sflag:s2], $0x4000  }
0x257: {  	s3 =	rddreg [dreg:$0x9]  }
0x258: {  	s31 =	rddreg [dreg:$0x8];
	s3 =	sadd.s32 $0x1, s3  }
0x259: {  	p0 =	sne.s32 s3, s31  }
.Ltmp5:
0x25a: {  	_ = 	snop;
	(pc) =	sbr.rel @p0 .LBB2_1-.Ltmp5, $3  }
0x25b: {  	_ =	sdelay $0x1  }
0x25c: {  	[sflag:s2] =	ssyncset.done $0x0  }
0x25d: {  	[sflag:s2] =	ssyncadd.s32 $0xFFFFC000  }
0x25e: {  	_ =	sfence.sel $0x180000  }
0x25f: {  	[bflag:$0x0] =	sbarrier.arrive $0xFFFF  }
0x260: {  	_ =	strace $0x90000047  }
0x261: {  	s0 =	stileid.u32;
	[bflag:$0x2] =	sbarrier.arrive $0xFFFF  }
0x262: {  	p0 =	sne.s32 s0, $0x0;
	s0 =	rddreg [dreg:$0x4]  }
0x263: {  	s0 =	sadd.s32 @!p0 $0x100000, s0  }
0x264: {  	[sflag:s0] =	ssyncadd.tile.s32 @!p0 $0x1;
	_ =	shalt  }
.Lfunc_end2:
_tile_overlayer_lowered:
.L_overlay_start_2:
0x265: {  	(tag) =	ssettag $0x2  }
0x266: {  	s0 =	rddreg [dreg:$0x0];
	s2 =	stileid.u32  }
0x267: {  	s1 =	rddreg [dreg:$0x1];
	p0 =	sne.s32 s2, $0x0  }
0x268: {  	s3 =	rddreg [dreg:$0x2];
	[bflag:$0x3] =	sbarrier.arrive $0xFFFF;
	s2 =	simm.s32 @!p0 $0x1C07  }
0x269: {  	[timem:s3], [sflag:s2] =	dma.local @!p0 [hbm:s0], s1  }
0x26a: {  	s0 =	simm.s32 @!p0 $0x7  }
0x26b: {  	_ =	swait.ge @!p0 [sflag:s0], s1  }
0x26c: {  	s1 =	ssub.s32 @!p0 $0x0, s1;
	[sflag:s0] =	ssyncset.done @!p0 $0x0  }
0x26d: {  	[sflag:s0] =	ssyncadd.s32 @!p0 s1  }
0x26e: {  	[bflag:$0x3] =	sbarrier.arrive $0xFFFF  }
0x26f: {  	_ =	shalt  }

</sc_bundles>
